<compile_context>
chip_gen: v7x
topology: tpu7x:2x2x1
jax: 0.10.2.dev20260603
libtpu: 0.0.44.dev20260713+nightly
codegen_flags: <defaults>
</compile_context>

<pallas_src>
import functools

import jax
import jax.numpy as jnp
from jax import lax
from jax.experimental import pallas as pl
from jax.experimental.pallas import tpu as pltpu
from jax.experimental.pallas import tpu_sc as plsc

_BETA = 0.9
_FREQ_BETA = 0.95
_TARGET_FREQUENCY = 0.1
_REFRACTORY_INPUT_GAIN = -0.3

_N = 4096
_NC = 2
_NS = 16
_NW = _NC * _NS
_R = _N // _NW
_L = 16
_CHUNK = 8
_IDXBUF = _R + 2 * _L

_sc_mesh = plsc.VectorSubcoreMesh(
    core_axis_name="c", subcore_axis_name="s", num_cores=_NC, num_subcores=_NS
)


_SC_SCRATCH = [
    pltpu.VMEM((_R,), jnp.int32),
    pltpu.VMEM((_IDXBUF,), jnp.int32),
    pltpu.VMEM((_CHUNK, _N), jnp.float32),
    pltpu.VMEM((_N,), jnp.float32),
    pltpu.SemaphoreType.DMA,
]


def _sc_partials_body(spk_hbm, w_hbm, out_hbm, spk_v, idx_v, buf_v, acc_v, sem):
    wid = lax.axis_index("s") * _NC + lax.axis_index("c")
    base = wid * _R
    pltpu.sync_copy(spk_hbm.at[pl.ds(base, _R)], spk_v)

    zeros_l = jnp.zeros((_L,), jnp.int32)
    iota_l = lax.iota(jnp.int32, _L)
    cnt = jnp.int32(0)
    for i in range(_R // _L):
        m = spk_v[pl.ds(i * _L, _L)] > zeros_l
        ones = m.astype(jnp.int32)
        pos = plsc.cumsum(ones) + jnp.full((_L,), cnt - 1, jnp.int32)
        ids = iota_l + jnp.full((_L,), base + i * _L, jnp.int32)
        plsc.store_scatter(idx_v, [pos], ids, mask=m)
        cnt = cnt + jnp.sum(ones)

    padpos = iota_l + jnp.full((_L,), cnt, jnp.int32)
    plsc.store_scatter(idx_v, [padpos], zeros_l)
    nchunks = (cnt + (_CHUNK - 1)) // _CHUNK

    def _zero(j, carry):
        acc_v[pl.ds(j * _L, _L)] = jnp.zeros((_L,), jnp.float32)
        return carry

    lax.fori_loop(0, _N // _L, _zero, 0)

    def _chunk(t, carry):
        pltpu.async_copy(
            w_hbm.at[idx_v.at[pl.ds(t * _CHUNK, _CHUNK)]], buf_v, sem
        ).wait()

        def _cols(j, inner):
            s = acc_v[pl.ds(j * _L, _L)]
            for r in range(_CHUNK):
                s = s + buf_v[r, pl.ds(j * _L, _L)]
            acc_v[pl.ds(j * _L, _L)] = s
            return inner

        lax.fori_loop(0, _N // _L, _cols, 0)
        return carry

    lax.fori_loop(0, nchunks, _chunk, 0)

    pad = nchunks * _CHUNK - cnt

    @pl.when(pad > 0)
    def _():
        padv = jnp.full((_L,), pad.astype(jnp.float32), jnp.float32)

        def _corr(j, carry):
            sl = pl.ds(j * _L, _L)
            acc_v[sl] = acc_v[sl] - padv * buf_v[_CHUNK - 1, sl]
            return carry

        lax.fori_loop(0, _N // _L, _corr, 0)

    pltpu.sync_copy(acc_v, out_hbm.at[wid])


_sc_partials = pl.kernel(
    _sc_partials_body,
    out_type=jax.ShapeDtypeStruct((_NW, _N), jnp.float32),
    mesh=_sc_mesh,
    scratch_types=_SC_SCRATCH,
    compiler_params=pltpu.CompilerParams(needs_layout_passes=False),
)


def _tc_body(part_ref, x_ref, act_ref, ig_ref, thr_ref, freq_ref,
             spk_out, act_out, thr_out, ig_out, freq_out):
    lateral = jnp.sum(part_ref[...], axis=0)
    ig1 = 0.2 + 0.8 * ig_ref[...]
    x2 = x_ref[...] + lateral
    act2 = _BETA * act_ref[...] + x2 * ig1 + 0.05
    thr = thr_ref[...]
    ns = act2 > thr
    nsf = ns.astype(jnp.float32)
    freq2 = _FREQ_BETA * freq_ref[...] + (1.0 - _FREQ_BETA) * nsf
    thr2 = jnp.where(freq2 > _TARGET_FREQUENCY, thr + 0.05, thr)
    thr2 = jnp.where(freq2 < _TARGET_FREQUENCY, thr2 / 1.05, thr2)
    spk_out[...] = nsf
    act_out[...] = jnp.where(ns, 0.0, act2)
    thr_out[...] = thr2
    ig_out[...] = jnp.where(ns, _REFRACTORY_INPUT_GAIN, ig1)
    freq_out[...] = freq2


_SHAPE = (64, 64)
_tc_finish = pl.pallas_call(
    _tc_body,
    out_shape=tuple(
        jax.ShapeDtypeStruct(_SHAPE, jnp.float32) for _ in range(5)
    ),
)


def kernel(x, activation, input_gain, spikes, threshold, freq_act,
           lateral_weights):
    spk_i32 = spikes.reshape(-1).astype(jnp.int32)
    partials = _sc_partials(spk_i32, lateral_weights)
    part3 = partials.reshape((_NW,) + _SHAPE)
    spk_f, act, thr, ig, freq = _tc_finish(
        part3, x, activation, input_gain, threshold, freq_act
    )
    return (spk_f > 0.5, act, thr, ig, freq)

# --- scband reference (transcript-rebuilt; emitter-appended) ---
"""Pipeline reference for scband-network-23922967839459 (READ-ONLY COPY).

The authoritative reference and input builder live on the scoring server;
editing this copy changes nothing except your own understanding.
"""

import jax, jax.numpy as jnp
import numpy as np

BETA = 0.9
FREQ_BETA = 0.95
TARGET_FREQUENCY = 0.1
REFRACTORY_INPUT_GAIN = -0.3
SHAPE = (64, 64)
N = SHAPE[0] * SHAPE[1]


def setup_inputs(seed: int = 0) -> dict:
    key = jax.random.key(seed)
    k1, k2, k3, k4, k5 = jax.random.split(key, 5)
    x = jax.random.normal(k1, SHAPE, dtype=jnp.float32)
    activation = jax.random.uniform(k2, SHAPE, dtype=jnp.float32)
    input_gain = jnp.ones(SHAPE, dtype=jnp.float32)
    spikes = jax.random.bernoulli(k3, 0.1, SHAPE)
    threshold = jnp.ones(SHAPE, dtype=jnp.float32)
    freq_act = jax.random.uniform(k4, SHAPE, dtype=jnp.float32) * 0.2
    lateral_weights = jax.random.uniform(k5, (N, N), dtype=jnp.float32) * 0.01
    return {
        "x": x,
        "activation": activation,
        "input_gain": input_gain,
        "spikes": spikes,
        "threshold": threshold,
        "freq_act": freq_act,
        "lateral_weights": lateral_weights,
    }


def reference(x, activation, input_gain, spikes, threshold, freq_act, lateral_weights):
    # Ensemble.forward (lateral_connections=True, auto_gain_control=True, reset='zero')
    shape = x.shape
    # input gain recovery
    input_gain = input_gain + (1.0 - input_gain) * 0.2
    # lateral input: sum of lateral_weights rows gathered where spikes==True
    # (equivalent to lateral_weights[spikes.view(-1), :].sum(dim=0))
    sp = spikes.astype(jnp.float32).reshape(-1)
    lateral_input = (sp @ lateral_weights).reshape(shape)
    x = x + lateral_input
    # leaky integration
    activation = BETA * activation + x * input_gain + 0.05
    # spike generation
    new_spikes = activation > threshold
    # running-average frequency (RunningAverage with beta=0.95)
    freq_act = FREQ_BETA * freq_act + (1.0 - FREQ_BETA) * new_spikes.astype(jnp.float32)
    # homeostatic threshold adaptation (masked scatter updates)
    threshold = jnp.where(freq_act > TARGET_FREQUENCY, threshold + 0.05, threshold)
    threshold = jnp.where(freq_act < TARGET_FREQUENCY, threshold / 1.05, threshold)
    # refractory gain (scatter-overwrite at spiking neurons)
    input_gain = jnp.where(new_spikes, REFRACTORY_INPUT_GAIN, input_gain)
    # reset mechanism 'zero' (scatter-overwrite)
    activation = jnp.where(new_spikes, 0.0, activation)
    return (new_spikes, activation, threshold, input_gain, freq_act)

if __name__ == "__main__":
    import jax
    _d = setup_inputs()
    print(jax.jit(kernel)(*tuple(_d.values())))

</pallas_src>

<mosaic_0001>
#map = affine_map<(d0, d1) -> (0)>
#map1 = affine_map<(d0, d1) -> (0, 0)>
module attributes {stable_mosaic.version = 14 : i64} {
  func.func @_sc_partials_body(%arg0: i32, %arg1: i32, %arg2: memref<4096xi32, #tpu.memory_space<hbm>>, %arg3: memref<4096x4096xf32, #tpu.memory_space<hbm>>, %arg4: memref<32x4096xf32, #tpu.memory_space<hbm>>, %arg5: memref<128xi32, #tpu.memory_space<vmem>>, %arg6: memref<160xi32, #tpu.memory_space<vmem>>, %arg7: memref<8x4096xf32, #tpu.memory_space<vmem>>, %arg8: memref<4096xf32, #tpu.memory_space<vmem>>, %arg9: memref<!tpu.dma_semaphore, #tpu.memory_space<semaphore_mem>>) attributes {dimension_semantics = [#tpu.dimension_semantics<core_parallel>, #tpu.dimension_semantics<subcore_parallel>], iteration_bounds = array<i64: 2, 16>, scalar_prefetch = 0 : i64, scratch_operands = 5 : i64, tpu.core_type = #tpu.core_type<sc_vector_subcore>, window_params = [{transform_indices = #map}, {transform_indices = #map1}, {transform_indices = #map1}]} {
    %mul3A = arith.constant 2 : i32
    %mul3A_0 = arith.muli %arg1, %mul3A : i32
    %add3A = arith.addi %mul3A_0, %arg0 : i32
    %mul3A_1 = arith.constant 128 : i32
    %mul3A_2 = arith.muli %add3A, %mul3A_1 : i32
    "tpu.region"() ({
      %run_scoped3A = tpu.sem_alloc : memref<!tpu.dma_semaphore, #tpu.memory_space<semaphore_mem>>
      %dma_start3A = tpu.memref_slice %arg2[%mul3A_2] : memref<4096xi32, #tpu.memory_space<hbm>> -> memref<128xi32, #tpu.memory_space<hbm>>
      %dma_start3A_202 = tpu.memref_slice %arg2[%mul3A_2] : memref<4096xi32, #tpu.memory_space<hbm>> -> memref<128xi32, #tpu.memory_space<hbm>>
      tpu.enqueue_dma source(%dma_start3A_202 : memref<128xi32, #tpu.memory_space<hbm>>) target(%arg5 : memref<128xi32, #tpu.memory_space<vmem>>) target_semaphore(%run_scoped3A : memref<!tpu.dma_semaphore, #tpu.memory_space<semaphore_mem>>)
      %dma_wait3A = tpu.memref_slice %arg2[%mul3A_2] : memref<4096xi32, #tpu.memory_space<hbm>> -> memref<128xi32, #tpu.memory_space<hbm>>
      %dma_wait3A_203 = tpu.memref_slice %arg2[%mul3A_2] : memref<4096xi32, #tpu.memory_space<hbm>> -> memref<128xi32, #tpu.memory_space<hbm>>
      tpu.wait_dma2 semaphore(%run_scoped3A : memref<!tpu.dma_semaphore, #tpu.memory_space<semaphore_mem>>) src(%dma_wait3A_203 : memref<128xi32, #tpu.memory_space<hbm>>) dst(%arg5 : memref<128xi32, #tpu.memory_space<vmem>>)
      tpu.yield
    }) : () -> ()
    %broadcast_in_dim3A = arith.constant 0 : i32
    %broadcast_in_dim3A_3 = vector.broadcast %broadcast_in_dim3A : i32 to vector<16xi32>
    %iota3A = tpu.iota {dimensions = array<i32: 0>} : vector<16xi32>
    %get3A = arith.constant 0 : index
    %get3A_4 = tpu.vector_load %arg5[%get3A] {strides = array<i32>} : memref<128xi32, #tpu.memory_space<vmem>>, vector<16xi32>,
    %gt3A = arith.cmpi sgt, %get3A_4, %broadcast_in_dim3A_3 : vector<16xi32>
    %convert_element_type3A = arith.extui %gt3A : vector<16xi1> to vector<16xi32>
    %broadcast_in_dim3A_5 = arith.constant true
    %broadcast_in_dim3A_6 = vector.broadcast %broadcast_in_dim3A_5 : i1 to vector<16xi1>
    %masked_cumsum3A = tpu.scan <sum>, %convert_element_type3A masked %broadcast_in_dim3A_6 : vector<16xi32>, vector<16xi1> -> vector<16xi32>
    %sub3A = arith.constant 0 : i32
    %sub3A_7 = arith.constant 1 : i32
    %sub3A_8 = arith.subi %sub3A, %sub3A_7 : i32
    %broadcast_in_dim3A_9 = vector.broadcast %sub3A_8 : i32 to vector<16xi32>
    %add3A_10 = arith.addi %masked_cumsum3A, %broadcast_in_dim3A_9 : vector<16xi32>
    %add3A_11 = arith.constant 0 : i32
    %add3A_12 = arith.addi %mul3A_2, %add3A_11 : i32
    %broadcast_in_dim3A_13 = vector.broadcast %add3A_12 : i32 to vector<16xi32>
    %add3A_14 = arith.addi %iota3A, %broadcast_in_dim3A_13 : vector<16xi32>
    tpu.vector_store_idx %arg6[%add3A_10], %add3A_14 masked %gt3A : memref<160xi32, #tpu.memory_space<vmem>>[vector<16xi32>], vector<16xi32>, vector<16xi1>
    %reduce_sum3A = arith.constant true
    %reduce_sum3A_15 = vector.broadcast %reduce_sum3A : i1 to vector<16xi1>
    %reduce_sum3A_16 = tpu.scan <sum>, %convert_element_type3A masked %reduce_sum3A_15 : vector<16xi32>, vector<16xi1> -> vector<16xi32>
    %reduce_sum3A_17 = vector.extract %reduce_sum3A_16[15] : i32 from vector<16xi32>
    %add3A_18 = arith.constant 0 : i32
    %add3A_19 = arith.addi %add3A_18, %reduce_sum3A_17 : i32
    %get3A_20 = arith.constant 16 : index
    %get3A_21 = tpu.vector_load %arg5[%get3A_20] {strides = array<i32>} : memref<128xi32, #tpu.memory_space<vmem>>, vector<16xi32>,
    %gt3A_22 = arith.cmpi sgt, %get3A_21, %broadcast_in_dim3A_3 : vector<16xi32>
    %convert_element_type3A_23 = arith.extui %gt3A_22 : vector<16xi1> to vector<16xi32>
    %broadcast_in_dim3A_24 = arith.constant true
    %broadcast_in_dim3A_25 = vector.broadcast %broadcast_in_dim3A_24 : i1 to vector<16xi1>
    %masked_cumsum3A_26 = tpu.scan <sum>, %convert_element_type3A_23 masked %broadcast_in_dim3A_25 : vector<16xi32>, vector<16xi1> -> vector<16xi32>
    %sub3A_27 = arith.constant 1 : i32
    %sub3A_28 = arith.subi %add3A_19, %sub3A_27 : i32
    %broadcast_in_dim3A_29 = vector.broadcast %sub3A_28 : i32 to vector<16xi32>
    %add3A_30 = arith.addi %masked_cumsum3A_26, %broadcast_in_dim3A_29 : vector<16xi32>
    %add3A_31 = arith.constant 16 : i32
    %add3A_32 = arith.addi %mul3A_2, %add3A_31 : i32
    %broadcast_in_dim3A_33 = vector.broadcast %add3A_32 : i32 to vector<16xi32>
    %add3A_34 = arith.addi %iota3A, %broadcast_in_dim3A_33 : vector<16xi32>
    tpu.vector_store_idx %arg6[%add3A_30], %add3A_34 masked %gt3A_22 : memref<160xi32, #tpu.memory_space<vmem>>[vector<16xi32>], vector<16xi32>, vector<16xi1>
    %reduce_sum3A_35 = arith.constant true
    %reduce_sum3A_36 = vector.broadcast %reduce_sum3A_35 : i1 to vector<16xi1>
    %reduce_sum3A_37 = tpu.scan <sum>, %convert_element_type3A_23 masked %reduce_sum3A_36 : vector<16xi32>, vector<16xi1> -> vector<16xi32>
    %reduce_sum3A_38 = vector.extract %reduce_sum3A_37[15] : i32 from vector<16xi32>
    %add3A_39 = arith.addi %add3A_19, %reduce_sum3A_38 : i32
    %get3A_40 = arith.constant 32 : index
    %get3A_41 = tpu.vector_load %arg5[%get3A_40] {strides = array<i32>} : memref<128xi32, #tpu.memory_space<vmem>>, vector<16xi32>,
    %gt3A_42 = arith.cmpi sgt, %get3A_41, %broadcast_in_dim3A_3 : vector<16xi32>
    %convert_element_type3A_43 = arith.extui %gt3A_42 : vector<16xi1> to vector<16xi32>
    %broadcast_in_dim3A_44 = arith.constant true
    %broadcast_in_dim3A_45 = vector.broadcast %broadcast_in_dim3A_44 : i1 to vector<16xi1>
    %masked_cumsum3A_46 = tpu.scan <sum>, %convert_element_type3A_43 masked %broadcast_in_dim3A_45 : vector<16xi32>, vector<16xi1> -> vector<16xi32>
    %sub3A_47 = arith.constant 1 : i32
    %sub3A_48 = arith.subi %add3A_39, %sub3A_47 : i32
    %broadcast_in_dim3A_49 = vector.broadcast %sub3A_48 : i32 to vector<16xi32>
    %add3A_50 = arith.addi %masked_cumsum3A_46, %broadcast_in_dim3A_49 : vector<16xi32>
    %add3A_51 = arith.constant 32 : i32
    %add3A_52 = arith.addi %mul3A_2, %add3A_51 : i32
    %broadcast_in_dim3A_53 = vector.broadcast %add3A_52 : i32 to vector<16xi32>
    %add3A_54 = arith.addi %iota3A, %broadcast_in_dim3A_53 : vector<16xi32>
    tpu.vector_store_idx %arg6[%add3A_50], %add3A_54 masked %gt3A_42 : memref<160xi32, #tpu.memory_space<vmem>>[vector<16xi32>], vector<16xi32>, vector<16xi1>
    %reduce_sum3A_55 = arith.constant true
    %reduce_sum3A_56 = vector.broadcast %reduce_sum3A_55 : i1 to vector<16xi1>
    %reduce_sum3A_57 = tpu.scan <sum>, %convert_element_type3A_43 masked %reduce_sum3A_56 : vector<16xi32>, vector<16xi1> -> vector<16xi32>
    %reduce_sum3A_58 = vector.extract %reduce_sum3A_57[15] : i32 from vector<16xi32>
    %add3A_59 = arith.addi %add3A_39, %reduce_sum3A_58 : i32
    %get3A_60 = arith.constant 48 : index
    %get3A_61 = tpu.vector_load %arg5[%get3A_60] {strides = array<i32>} : memref<128xi32, #tpu.memory_space<vmem>>, vector<16xi32>,
    %gt3A_62 = arith.cmpi sgt, %get3A_61, %broadcast_in_dim3A_3 : vector<16xi32>
    %convert_element_type3A_63 = arith.extui %gt3A_62 : vector<16xi1> to vector<16xi32>
    %broadcast_in_dim3A_64 = arith.constant true
    %broadcast_in_dim3A_65 = vector.broadcast %broadcast_in_dim3A_64 : i1 to vector<16xi1>
    %masked_cumsum3A_66 = tpu.scan <sum>, %convert_element_type3A_63 masked %broadcast_in_dim3A_65 : vector<16xi32>, vector<16xi1> -> vector<16xi32>
    %sub3A_67 = arith.constant 1 : i32
    %sub3A_68 = arith.subi %add3A_59, %sub3A_67 : i32
    %broadcast_in_dim3A_69 = vector.broadcast %sub3A_68 : i32 to vector<16xi32>
    %add3A_70 = arith.addi %masked_cumsum3A_66, %broadcast_in_dim3A_69 : vector<16xi32>
    %add3A_71 = arith.constant 48 : i32
    %add3A_72 = arith.addi %mul3A_2, %add3A_71 : i32
    %broadcast_in_dim3A_73 = vector.broadcast %add3A_72 : i32 to vector<16xi32>
    %add3A_74 = arith.addi %iota3A, %broadcast_in_dim3A_73 : vector<16xi32>
    tpu.vector_store_idx %arg6[%add3A_70], %add3A_74 masked %gt3A_62 : memref<160xi32, #tpu.memory_space<vmem>>[vector<16xi32>], vector<16xi32>, vector<16xi1>
    %reduce_sum3A_75 = arith.constant true
    %reduce_sum3A_76 = vector.broadcast %reduce_sum3A_75 : i1 to vector<16xi1>
    %reduce_sum3A_77 = tpu.scan <sum>, %convert_element_type3A_63 masked %reduce_sum3A_76 : vector<16xi32>, vector<16xi1> -> vector<16xi32>
    %reduce_sum3A_78 = vector.extract %reduce_sum3A_77[15] : i32 from vector<16xi32>
    %add3A_79 = arith.addi %add3A_59, %reduce_sum3A_78 : i32
    %get3A_80 = arith.constant 64 : index
    %get3A_81 = tpu.vector_load %arg5[%get3A_80] {strides = array<i32>} : memref<128xi32, #tpu.memory_space<vmem>>, vector<16xi32>,
    %gt3A_82 = arith.cmpi sgt, %get3A_81, %broadcast_in_dim3A_3 : vector<16xi32>
    %convert_element_type3A_83 = arith.extui %gt3A_82 : vector<16xi1> to vector<16xi32>
    %broadcast_in_dim3A_84 = arith.constant true
    %broadcast_in_dim3A_85 = vector.broadcast %broadcast_in_dim3A_84 : i1 to vector<16xi1>
    %masked_cumsum3A_86 = tpu.scan <sum>, %convert_element_type3A_83 masked %broadcast_in_dim3A_85 : vector<16xi32>, vector<16xi1> -> vector<16xi32>
    %sub3A_87 = arith.constant 1 : i32
    %sub3A_88 = arith.subi %add3A_79, %sub3A_87 : i32
    %broadcast_in_dim3A_89 = vector.broadcast %sub3A_88 : i32 to vector<16xi32>
    %add3A_90 = arith.addi %masked_cumsum3A_86, %broadcast_in_dim3A_89 : vector<16xi32>
    %add3A_91 = arith.constant 64 : i32
    %add3A_92 = arith.addi %mul3A_2, %add3A_91 : i32
    %broadcast_in_dim3A_93 = vector.broadcast %add3A_92 : i32 to vector<16xi32>
    %add3A_94 = arith.addi %iota3A, %broadcast_in_dim3A_93 : vector<16xi32>
    tpu.vector_store_idx %arg6[%add3A_90], %add3A_94 masked %gt3A_82 : memref<160xi32, #tpu.memory_space<vmem>>[vector<16xi32>], vector<16xi32>, vector<16xi1>
    %reduce_sum3A_95 = arith.constant true
    %reduce_sum3A_96 = vector.broadcast %reduce_sum3A_95 : i1 to vector<16xi1>
    %reduce_sum3A_97 = tpu.scan <sum>, %convert_element_type3A_83 masked %reduce_sum3A_96 : vector<16xi32>, vector<16xi1> -> vector<16xi32>
    %reduce_sum3A_98 = vector.extract %reduce_sum3A_97[15] : i32 from vector<16xi32>
    %add3A_99 = arith.addi %add3A_79, %reduce_sum3A_98 : i32
    %get3A_100 = arith.constant 80 : index
    %get3A_101 = tpu.vector_load %arg5[%get3A_100] {strides = array<i32>} : memref<128xi32, #tpu.memory_space<vmem>>, vector<16xi32>,
    %gt3A_102 = arith.cmpi sgt, %get3A_101, %broadcast_in_dim3A_3 : vector<16xi32>
    %convert_element_type3A_103 = arith.extui %gt3A_102 : vector<16xi1> to vector<16xi32>
    %broadcast_in_dim3A_104 = arith.constant true
    %broadcast_in_dim3A_105 = vector.broadcast %broadcast_in_dim3A_104 : i1 to vector<16xi1>
    %masked_cumsum3A_106 = tpu.scan <sum>, %convert_element_type3A_103 masked %broadcast_in_dim3A_105 : vector<16xi32>, vector<16xi1> -> vector<16xi32>
    %sub3A_107 = arith.constant 1 : i32
    %sub3A_108 = arith.subi %add3A_99, %sub3A_107 : i32
    %broadcast_in_dim3A_109 = vector.broadcast %sub3A_108 : i32 to vector<16xi32>
    %add3A_110 = arith.addi %masked_cumsum3A_106, %broadcast_in_dim3A_109 : vector<16xi32>
    %add3A_111 = arith.constant 80 : i32
    %add3A_112 = arith.addi %mul3A_2, %add3A_111 : i32
    %broadcast_in_dim3A_113 = vector.broadcast %add3A_112 : i32 to vector<16xi32>
    %add3A_114 = arith.addi %iota3A, %broadcast_in_dim3A_113 : vector<16xi32>
    tpu.vector_store_idx %arg6[%add3A_110], %add3A_114 masked %gt3A_102 : memref<160xi32, #tpu.memory_space<vmem>>[vector<16xi32>], vector<16xi32>, vector<16xi1>
    %reduce_sum3A_115 = arith.constant true
    %reduce_sum3A_116 = vector.broadcast %reduce_sum3A_115 : i1 to vector<16xi1>
    %reduce_sum3A_117 = tpu.scan <sum>, %convert_element_type3A_103 masked %reduce_sum3A_116 : vector<16xi32>, vector<16xi1> -> vector<16xi32>
    %reduce_sum3A_118 = vector.extract %reduce_sum3A_117[15] : i32 from vector<16xi32>
    %add3A_119 = arith.addi %add3A_99, %reduce_sum3A_118 : i32
    %get3A_120 = arith.constant 96 : index
    %get3A_121 = tpu.vector_load %arg5[%get3A_120] {strides = array<i32>} : memref<128xi32, #tpu.memory_space<vmem>>, vector<16xi32>,
    %gt3A_122 = arith.cmpi sgt, %get3A_121, %broadcast_in_dim3A_3 : vector<16xi32>
    %convert_element_type3A_123 = arith.extui %gt3A_122 : vector<16xi1> to vector<16xi32>
    %broadcast_in_dim3A_124 = arith.constant true
    %broadcast_in_dim3A_125 = vector.broadcast %broadcast_in_dim3A_124 : i1 to vector<16xi1>
    %masked_cumsum3A_126 = tpu.scan <sum>, %convert_element_type3A_123 masked %broadcast_in_dim3A_125 : vector<16xi32>, vector<16xi1> -> vector<16xi32>
    %sub3A_127 = arith.constant 1 : i32
    %sub3A_128 = arith.subi %add3A_119, %sub3A_127 : i32
    %broadcast_in_dim3A_129 = vector.broadcast %sub3A_128 : i32 to vector<16xi32>
    %add3A_130 = arith.addi %masked_cumsum3A_126, %broadcast_in_dim3A_129 : vector<16xi32>
    %add3A_131 = arith.constant 96 : i32
    %add3A_132 = arith.addi %mul3A_2, %add3A_131 : i32
    %broadcast_in_dim3A_133 = vector.broadcast %add3A_132 : i32 to vector<16xi32>
    %add3A_134 = arith.addi %iota3A, %broadcast_in_dim3A_133 : vector<16xi32>
    tpu.vector_store_idx %arg6[%add3A_130], %add3A_134 masked %gt3A_122 : memref<160xi32, #tpu.memory_space<vmem>>[vector<16xi32>], vector<16xi32>, vector<16xi1>
    %reduce_sum3A_135 = arith.constant true
    %reduce_sum3A_136 = vector.broadcast %reduce_sum3A_135 : i1 to vector<16xi1>
    %reduce_sum3A_137 = tpu.scan <sum>, %convert_element_type3A_123 masked %reduce_sum3A_136 : vector<16xi32>, vector<16xi1> -> vector<16xi32>
    %reduce_sum3A_138 = vector.extract %reduce_sum3A_137[15] : i32 from vector<16xi32>
    %add3A_139 = arith.addi %add3A_119, %reduce_sum3A_138 : i32
    %get3A_140 = arith.constant 112 : index
    %get3A_141 = tpu.vector_load %arg5[%get3A_140] {strides = array<i32>} : memref<128xi32, #tpu.memory_space<vmem>>, vector<16xi32>,
    %gt3A_142 = arith.cmpi sgt, %get3A_141, %broadcast_in_dim3A_3 : vector<16xi32>
    %convert_element_type3A_143 = arith.extui %gt3A_142 : vector<16xi1> to vector<16xi32>
    %broadcast_in_dim3A_144 = arith.constant true
    %broadcast_in_dim3A_145 = vector.broadcast %broadcast_in_dim3A_144 : i1 to vector<16xi1>
    %masked_cumsum3A_146 = tpu.scan <sum>, %convert_element_type3A_143 masked %broadcast_in_dim3A_145 : vector<16xi32>, vector<16xi1> -> vector<16xi32>
    %sub3A_147 = arith.constant 1 : i32
    %sub3A_148 = arith.subi %add3A_139, %sub3A_147 : i32
    %broadcast_in_dim3A_149 = vector.broadcast %sub3A_148 : i32 to vector<16xi32>
    %add3A_150 = arith.addi %masked_cumsum3A_146, %broadcast_in_dim3A_149 : vector<16xi32>
    %add3A_151 = arith.constant 112 : i32
    %add3A_152 = arith.addi %mul3A_2, %add3A_151 : i32
    %broadcast_in_dim3A_153 = vector.broadcast %add3A_152 : i32 to vector<16xi32>
    %add3A_154 = arith.addi %iota3A, %broadcast_in_dim3A_153 : vector<16xi32>
    tpu.vector_store_idx %arg6[%add3A_150], %add3A_154 masked %gt3A_142 : memref<160xi32, #tpu.memory_space<vmem>>[vector<16xi32>], vector<16xi32>, vector<16xi1>
    %reduce_sum3A_155 = arith.constant true
    %reduce_sum3A_156 = vector.broadcast %reduce_sum3A_155 : i1 to vector<16xi1>
    %reduce_sum3A_157 = tpu.scan <sum>, %convert_element_type3A_143 masked %reduce_sum3A_156 : vector<16xi32>, vector<16xi1> -> vector<16xi32>
    %reduce_sum3A_158 = vector.extract %reduce_sum3A_157[15] : i32 from vector<16xi32>
    %add3A_159 = arith.addi %add3A_139, %reduce_sum3A_158 : i32
    %broadcast_in_dim3A_160 = vector.broadcast %add3A_159 : i32 to vector<16xi32>
    %add3A_161 = arith.addi %iota3A, %broadcast_in_dim3A_160 : vector<16xi32>
    tpu.vector_store_idx %arg6[%add3A_161], %broadcast_in_dim3A_3 : memref<160xi32, #tpu.memory_space<vmem>>[vector<16xi32>], vector<16xi32>,
    %add3A_162 = arith.constant 7 : i32
    %add3A_163 = arith.addi %add3A_159, %add3A_162 : i32
    %jit3A = arith.constant 8 : i32
    %div3A = arith.divsi %add3A_163, %jit3A : i32
    %sign3A = arith.constant 0 : i32
    %sign3A_164 = arith.cmpi sgt, %add3A_163, %sign3A : i32
    %sign3A_165 = arith.extui %sign3A_164 : i1 to i32
    %sign3A_166 = arith.constant 0 : i32
    %sign3A_167 = arith.cmpi slt, %add3A_163, %sign3A_166 : i32
    %sign3A_168 = arith.extui %sign3A_167 : i1 to i32
    %sign3A_169 = arith.subi %sign3A_165, %sign3A_168 : i32
    %sign3A_170 = arith.constant 0 : i32
    %sign3A_171 = arith.cmpi sgt, %jit3A, %sign3A_170 : i32
    %sign3A_172 = arith.extui %sign3A_171 : i1 to i32
    %sign3A_173 = arith.constant 0 : i32
    %sign3A_174 = arith.cmpi slt, %jit3A, %sign3A_173 : i32
    %sign3A_175 = arith.extui %sign3A_174 : i1 to i32
    %sign3A_176 = arith.subi %sign3A_172, %sign3A_175 : i32
    %ne3A = arith.cmpi ne, %sign3A_169, %sign3A_176 : i32
    %rem3A = arith.remsi %add3A_163, %jit3A : i32
    %ne3A_177 = arith.constant 0 : i32
    %ne3A_178 = arith.cmpi ne, %rem3A, %ne3A_177 : i32
    %and3A = arith.andi %ne3A, %ne3A_178 : i1
    %sub3A_179 = arith.constant 1 : i32
    %sub3A_180 = arith.subi %div3A, %sub3A_179 : i32
    %select_n3A = arith.select %and3A, %sub3A_180, %div3A : i32
    %scan3A = arith.constant 0 : i32
    %scan3A_181 = arith.constant 0 : i32
    %scan3A_182 = arith.constant 256 : i32
    %scan3A_183 = arith.addi %scan3A_181, %scan3A_182 : i32
    %scan3A_184 = arith.constant 1 : i32
    scf.for %scan3A_202 = %scan3A_181 to %scan3A_183 step %scan3A_184  : i32 {
      %broadcast_in_dim3A_203 = arith.constant 0.000000e+00 : f32
      %broadcast_in_dim3A_204 = vector.broadcast %broadcast_in_dim3A_203 : f32 to vector<16xf32>
      %mul3A_205 = arith.constant 16 : i32
      %mul3A_206 = arith.muli %scan3A_202, %mul3A_205 : i32
      %swap3A = arith.index_cast %mul3A_206 : i32 to index
      %swap3A_207 = tpu.vector_load %arg8[%swap3A] {strides = array<i32>} : memref<4096xf32, #tpu.memory_space<vmem>>, vector<16xf32>,
      tpu.vector_store %arg8[%swap3A], %broadcast_in_dim3A_204 {strides = array<i32>} : memref<4096xf32, #tpu.memory_space<vmem>>, vector<16xf32>,
    }
    %scan3A_185 = arith.constant 256 : i32
    %while3A = arith.constant 0 : i32
    %while3A_186 = arith.constant 0 : i32
    %while3A_187 = arith.subi %select_n3A, %while3A_186 : i32
    %while3A_188 = arith.addi %while3A_186, %while3A_187 : i32
    %while3A_189 = arith.constant 1 : i32
    %while3A_190 = arith.divsi %while3A_187, %while3A_189 : i32
    %while3A_191 = arith.muli %while3A_190, %while3A_189 : i32
    %while3A_192 = arith.addi %while3A_186, %while3A_191 : i32
    %while3A_193 = arith.constant 1 : i32
    scf.for %while3A_202 = %while3A_186 to %while3A_192 step %while3A_193  : i32 {
      %mul3A_203 = arith.constant 8 : i32
      %mul3A_204 = arith.muli %while3A_202, %mul3A_203 : i32
      %dma_start3A = tpu.memref_slice %arg6[%mul3A_204] : memref<160xi32, #tpu.memory_space<vmem>> -> memref<8xi32, #tpu.memory_space<vmem>>
      %dma_start3A_205 = arith.constant 0 : i32
      %dma_start3A_206 = arith.constant 0 : i32
      %dma_start3A_207 = tpu.memref_slice %arg3[%dma_start3A_205, %dma_start3A_206] : memref<4096x4096xf32, #tpu.memory_space<hbm>> -> memref<4096x4096xf32, #tpu.memory_space<hbm>>
      tpu.enqueue_indirect_dma source(%dma_start3A_207 : memref<4096x4096xf32, #tpu.memory_space<hbm>>) target(%arg7 : memref<8x4096xf32, #tpu.memory_space<vmem>>) offsets(%dma_start3A : memref<8xi32, #tpu.memory_space<vmem>>) semaphore(%arg9 : memref<!tpu.dma_semaphore, #tpu.memory_space<semaphore_mem>>)
      %dma_wait3A = tpu.memref_slice %arg6[%mul3A_204] : memref<160xi32, #tpu.memory_space<vmem>> -> memref<8xi32, #tpu.memory_space<vmem>>
      %dma_wait3A_208 = arith.constant 0 : i32
      %dma_wait3A_209 = arith.constant 0 : i32
      %dma_wait3A_210 = tpu.memref_slice %arg3[%dma_wait3A_208, %dma_wait3A_209] : memref<4096x4096xf32, #tpu.memory_space<hbm>> -> memref<4096x4096xf32, #tpu.memory_space<hbm>>
      tpu.wait_indirect_dma semaphore(%arg9 : memref<!tpu.dma_semaphore, #tpu.memory_space<semaphore_mem>>) src(%dma_wait3A_210 : memref<4096x4096xf32, #tpu.memory_space<hbm>>) dst(%arg7 : memref<8x4096xf32, #tpu.memory_space<vmem>>)
      %scan3A_211 = arith.constant 0 : i32
      %scan3A_212 = arith.constant 0 : i32
      %scan3A_213 = arith.constant 256 : i32
      %scan3A_214 = arith.addi %scan3A_212, %scan3A_213 : i32
      %scan3A_215 = arith.constant 1 : i32
      scf.for %scan3A_217 = %scan3A_212 to %scan3A_214 step %scan3A_215  : i32 {
        %mul3A_218 = arith.constant 16 : i32
        %mul3A_219 = arith.muli %scan3A_217, %mul3A_218 : i32
        %get3A_220 = arith.index_cast %mul3A_219 : i32 to index
        %get3A_221 = tpu.vector_load %arg8[%get3A_220] {strides = array<i32>} : memref<4096xf32, #tpu.memory_space<vmem>>, vector<16xf32>,
        %mul3A_222 = arith.constant 16 : i32
        %mul3A_223 = arith.muli %scan3A_217, %mul3A_222 : i32
        %get3A_224 = arith.constant 0 : i32
        %get3A_225 = arith.index_cast %get3A_224 : i32 to index
        %get3A_226 = arith.index_cast %mul3A_223 : i32 to index
        %get3A_227 = tpu.vector_load %arg7[%get3A_225, %get3A_226] {strides = array<i32>} : memref<8x4096xf32, #tpu.memory_space<vmem>>, vector<16xf32>,
        %add3A_228 = arith.addf %get3A_221, %get3A_227 : vector<16xf32>
        %mul3A_229 = arith.constant 16 : i32
        %mul3A_230 = arith.muli %scan3A_217, %mul3A_229 : i32
        %get3A_231 = arith.constant 1 : i32
        %get3A_232 = arith.index_cast %get3A_231 : i32 to index
        %get3A_233 = arith.index_cast %mul3A_230 : i32 to index
        %get3A_234 = tpu.vector_load %arg7[%get3A_232, %get3A_233] {strides = array<i32>} : memref<8x4096xf32, #tpu.memory_space<vmem>>, vector<16xf32>,
        %add3A_235 = arith.addf %add3A_228, %get3A_234 : vector<16xf32>
        %mul3A_236 = arith.constant 16 : i32
        %mul3A_237 = arith.muli %scan3A_217, %mul3A_236 : i32
        %get3A_238 = arith.constant 2 : i32
        %get3A_239 = arith.index_cast %get3A_238 : i32 to index
        %get3A_240 = arith.index_cast %mul3A_237 : i32 to index
        %get3A_241 = tpu.vector_load %arg7[%get3A_239, %get3A_240] {strides = array<i32>} : memref<8x4096xf32, #tpu.memory_space<vmem>>, vector<16xf32>,
        %add3A_242 = arith.addf %add3A_235, %get3A_241 : vector<16xf32>
        %mul3A_243 = arith.constant 16 : i32
        %mul3A_244 = arith.muli %scan3A_217, %mul3A_243 : i32
        %get3A_245 = arith.constant 3 : i32
        %get3A_246 = arith.index_cast %get3A_245 : i32 to index
        %get3A_247 = arith.index_cast %mul3A_244 : i32 to index
        %get3A_248 = tpu.vector_load %arg7[%get3A_246, %get3A_247] {strides = array<i32>} : memref<8x4096xf32, #tpu.memory_space<vmem>>, vector<16xf32>,
        %add3A_249 = arith.addf %add3A_242, %get3A_248 : vector<16xf32>
        %mul3A_250 = arith.constant 16 : i32
        %mul3A_251 = arith.muli %scan3A_217, %mul3A_250 : i32
        %get3A_252 = arith.constant 4 : i32
        %get3A_253 = arith.index_cast %get3A_252 : i32 to index
        %get3A_254 = arith.index_cast %mul3A_251 : i32 to index
        %get3A_255 = tpu.vector_load %arg7[%get3A_253, %get3A_254] {strides = array<i32>} : memref<8x4096xf32, #tpu.memory_space<vmem>>, vector<16xf32>,
        %add3A_256 = arith.addf %add3A_249, %get3A_255 : vector<16xf32>
        %mul3A_257 = arith.constant 16 : i32
        %mul3A_258 = arith.muli %scan3A_217, %mul3A_257 : i32
        %get3A_259 = arith.constant 5 : i32
        %get3A_260 = arith.index_cast %get3A_259 : i32 to index
        %get3A_261 = arith.index_cast %mul3A_258 : i32 to index
        %get3A_262 = tpu.vector_load %arg7[%get3A_260, %get3A_261] {strides = array<i32>} : memref<8x4096xf32, #tpu.memory_space<vmem>>, vector<16xf32>,
        %add3A_263 = arith.addf %add3A_256, %get3A_262 : vector<16xf32>
        %mul3A_264 = arith.constant 16 : i32
        %mul3A_265 = arith.muli %scan3A_217, %mul3A_264 : i32
        %get3A_266 = arith.constant 6 : i32
        %get3A_267 = arith.index_cast %get3A_266 : i32 to index
        %get3A_268 = arith.index_cast %mul3A_265 : i32 to index
        %get3A_269 = tpu.vector_load %arg7[%get3A_267, %get3A_268] {strides = array<i32>} : memref<8x4096xf32, #tpu.memory_space<vmem>>, vector<16xf32>,
        %add3A_270 = arith.addf %add3A_263, %get3A_269 : vector<16xf32>
        %mul3A_271 = arith.constant 16 : i32
        %mul3A_272 = arith.muli %scan3A_217, %mul3A_271 : i32
        %get3A_273 = arith.constant 7 : i32
        %get3A_274 = arith.index_cast %get3A_273 : i32 to index
        %get3A_275 = arith.index_cast %mul3A_272 : i32 to index
        %get3A_276 = tpu.vector_load %arg7[%get3A_274, %get3A_275] {strides = array<i32>} : memref<8x4096xf32, #tpu.memory_space<vmem>>, vector<16xf32>,
        %add3A_277 = arith.addf %add3A_270, %get3A_276 : vector<16xf32>
        %mul3A_278 = arith.constant 16 : i32
        %mul3A_279 = arith.muli %scan3A_217, %mul3A_278 : i32
        %swap3A = arith.index_cast %mul3A_279 : i32 to index
        %swap3A_280 = tpu.vector_load %arg8[%swap3A] {strides = array<i32>} : memref<4096xf32, #tpu.memory_space<vmem>>, vector<16xf32>,
        tpu.vector_store %arg8[%swap3A], %add3A_277 {strides = array<i32>} : memref<4096xf32, #tpu.memory_space<vmem>>, vector<16xf32>,
      }
      %scan3A_216 = arith.constant 256 : i32
    }
    %while3A_194 = arith.constant 1 : i32
    scf.for %while3A_202 = %while3A_192 to %while3A_188 step %while3A_194  : i32 {
      %mul3A_203 = arith.constant 8 : i32
      %mul3A_204 = arith.muli %while3A_202, %mul3A_203 : i32
      %dma_start3A = tpu.memref_slice %arg6[%mul3A_204] : memref<160xi32, #tpu.memory_space<vmem>> -> memref<8xi32, #tpu.memory_space<vmem>>
      %dma_start3A_205 = arith.constant 0 : i32
      %dma_start3A_206 = arith.constant 0 : i32
      %dma_start3A_207 = tpu.memref_slice %arg3[%dma_start3A_205, %dma_start3A_206] : memref<4096x4096xf32, #tpu.memory_space<hbm>> -> memref<4096x4096xf32, #tpu.memory_space<hbm>>
      tpu.enqueue_indirect_dma source(%dma_start3A_207 : memref<4096x4096xf32, #tpu.memory_space<hbm>>) target(%arg7 : memref<8x4096xf32, #tpu.memory_space<vmem>>) offsets(%dma_start3A : memref<8xi32, #tpu.memory_space<vmem>>) semaphore(%arg9 : memref<!tpu.dma_semaphore, #tpu.memory_space<semaphore_mem>>)
      %dma_wait3A = tpu.memref_slice %arg6[%mul3A_204] : memref<160xi32, #tpu.memory_space<vmem>> -> memref<8xi32, #tpu.memory_space<vmem>>
      %dma_wait3A_208 = arith.constant 0 : i32
      %dma_wait3A_209 = arith.constant 0 : i32
      %dma_wait3A_210 = tpu.memref_slice %arg3[%dma_wait3A_208, %dma_wait3A_209] : memref<4096x4096xf32, #tpu.memory_space<hbm>> -> memref<4096x4096xf32, #tpu.memory_space<hbm>>
      tpu.wait_indirect_dma semaphore(%arg9 : memref<!tpu.dma_semaphore, #tpu.memory_space<semaphore_mem>>) src(%dma_wait3A_210 : memref<4096x4096xf32, #tpu.memory_space<hbm>>) dst(%arg7 : memref<8x4096xf32, #tpu.memory_space<vmem>>)
      %scan3A_211 = arith.constant 0 : i32
      %scan3A_212 = arith.constant 0 : i32
      %scan3A_213 = arith.constant 256 : i32
      %scan3A_214 = arith.addi %scan3A_212, %scan3A_213 : i32
      %scan3A_215 = arith.constant 1 : i32
      scf.for %scan3A_217 = %scan3A_212 to %scan3A_214 step %scan3A_215  : i32 {
        %mul3A_218 = arith.constant 16 : i32
        %mul3A_219 = arith.muli %scan3A_217, %mul3A_218 : i32
        %get3A_220 = arith.index_cast %mul3A_219 : i32 to index
        %get3A_221 = tpu.vector_load %arg8[%get3A_220] {strides = array<i32>} : memref<4096xf32, #tpu.memory_space<vmem>>, vector<16xf32>,
        %mul3A_222 = arith.constant 16 : i32
        %mul3A_223 = arith.muli %scan3A_217, %mul3A_222 : i32
        %get3A_224 = arith.constant 0 : i32
        %get3A_225 = arith.index_cast %get3A_224 : i32 to index
        %get3A_226 = arith.index_cast %mul3A_223 : i32 to index
        %get3A_227 = tpu.vector_load %arg7[%get3A_225, %get3A_226] {strides = array<i32>} : memref<8x4096xf32, #tpu.memory_space<vmem>>, vector<16xf32>,
        %add3A_228 = arith.addf %get3A_221, %get3A_227 : vector<16xf32>
        %mul3A_229 = arith.constant 16 : i32
        %mul3A_230 = arith.muli %scan3A_217, %mul3A_229 : i32
        %get3A_231 = arith.constant 1 : i32
        %get3A_232 = arith.index_cast %get3A_231 : i32 to index
        %get3A_233 = arith.index_cast %mul3A_230 : i32 to index
        %get3A_234 = tpu.vector_load %arg7[%get3A_232, %get3A_233] {strides = array<i32>} : memref<8x4096xf32, #tpu.memory_space<vmem>>, vector<16xf32>,
        %add3A_235 = arith.addf %add3A_228, %get3A_234 : vector<16xf32>
        %mul3A_236 = arith.constant 16 : i32
        %mul3A_237 = arith.muli %scan3A_217, %mul3A_236 : i32
        %get3A_238 = arith.constant 2 : i32
        %get3A_239 = arith.index_cast %get3A_238 : i32 to index
        %get3A_240 = arith.index_cast %mul3A_237 : i32 to index
        %get3A_241 = tpu.vector_load %arg7[%get3A_239, %get3A_240] {strides = array<i32>} : memref<8x4096xf32, #tpu.memory_space<vmem>>, vector<16xf32>,
        %add3A_242 = arith.addf %add3A_235, %get3A_241 : vector<16xf32>
        %mul3A_243 = arith.constant 16 : i32
        %mul3A_244 = arith.muli %scan3A_217, %mul3A_243 : i32
        %get3A_245 = arith.constant 3 : i32
        %get3A_246 = arith.index_cast %get3A_245 : i32 to index
        %get3A_247 = arith.index_cast %mul3A_244 : i32 to index
        %get3A_248 = tpu.vector_load %arg7[%get3A_246, %get3A_247] {strides = array<i32>} : memref<8x4096xf32, #tpu.memory_space<vmem>>, vector<16xf32>,
        %add3A_249 = arith.addf %add3A_242, %get3A_248 : vector<16xf32>
        %mul3A_250 = arith.constant 16 : i32
        %mul3A_251 = arith.muli %scan3A_217, %mul3A_250 : i32
        %get3A_252 = arith.constant 4 : i32
        %get3A_253 = arith.index_cast %get3A_252 : i32 to index
        %get3A_254 = arith.index_cast %mul3A_251 : i32 to index
        %get3A_255 = tpu.vector_load %arg7[%get3A_253, %get3A_254] {strides = array<i32>} : memref<8x4096xf32, #tpu.memory_space<vmem>>, vector<16xf32>,
        %add3A_256 = arith.addf %add3A_249, %get3A_255 : vector<16xf32>
        %mul3A_257 = arith.constant 16 : i32
        %mul3A_258 = arith.muli %scan3A_217, %mul3A_257 : i32
        %get3A_259 = arith.constant 5 : i32
        %get3A_260 = arith.index_cast %get3A_259 : i32 to index
        %get3A_261 = arith.index_cast %mul3A_258 : i32 to index
        %get3A_262 = tpu.vector_load %arg7[%get3A_260, %get3A_261] {strides = array<i32>} : memref<8x4096xf32, #tpu.memory_space<vmem>>, vector<16xf32>,
        %add3A_263 = arith.addf %add3A_256, %get3A_262 : vector<16xf32>
        %mul3A_264 = arith.constant 16 : i32
        %mul3A_265 = arith.muli %scan3A_217, %mul3A_264 : i32
        %get3A_266 = arith.constant 6 : i32
        %get3A_267 = arith.index_cast %get3A_266 : i32 to index
        %get3A_268 = arith.index_cast %mul3A_265 : i32 to index
        %get3A_269 = tpu.vector_load %arg7[%get3A_267, %get3A_268] {strides = array<i32>} : memref<8x4096xf32, #tpu.memory_space<vmem>>, vector<16xf32>,
        %add3A_270 = arith.addf %add3A_263, %get3A_269 : vector<16xf32>
        %mul3A_271 = arith.constant 16 : i32
        %mul3A_272 = arith.muli %scan3A_217, %mul3A_271 : i32
        %get3A_273 = arith.constant 7 : i32
        %get3A_274 = arith.index_cast %get3A_273 : i32 to index
        %get3A_275 = arith.index_cast %mul3A_272 : i32 to index
        %get3A_276 = tpu.vector_load %arg7[%get3A_274, %get3A_275] {strides = array<i32>} : memref<8x4096xf32, #tpu.memory_space<vmem>>, vector<16xf32>,
        %add3A_277 = arith.addf %add3A_270, %get3A_276 : vector<16xf32>
        %mul3A_278 = arith.constant 16 : i32
        %mul3A_279 = arith.muli %scan3A_217, %mul3A_278 : i32
        %swap3A = arith.index_cast %mul3A_279 : i32 to index
        %swap3A_280 = tpu.vector_load %arg8[%swap3A] {strides = array<i32>} : memref<4096xf32, #tpu.memory_space<vmem>>, vector<16xf32>,
        tpu.vector_store %arg8[%swap3A], %add3A_277 {strides = array<i32>} : memref<4096xf32, #tpu.memory_space<vmem>>, vector<16xf32>,
      }
      %scan3A_216 = arith.constant 256 : i32
    }
    %mul3A_195 = arith.constant 8 : i32
    %mul3A_196 = arith.muli %select_n3A, %mul3A_195 : i32
    %sub3A_197 = arith.subi %mul3A_196, %add3A_159 : i32
    %gt3A_198 = arith.constant 0 : i32
    %gt3A_199 = arith.cmpi sgt, %sub3A_197, %gt3A_198 : i32
    %convert_element_type3A_200 = arith.extui %gt3A_199 : i1 to i32
    %cond3A = arith.constant 0 : i32
    %cond3A_201 = arith.cmpi ne, %convert_element_type3A_200, %cond3A : i32
    scf.if %cond3A_201 {
      %convert_element_type3A_202 = arith.sitofp %sub3A_197 : i32 to f32
      %broadcast_in_dim3A_203 = vector.broadcast %convert_element_type3A_202 : f32 to vector<16xf32>
      %scan3A_204 = arith.constant 0 : i32
      %scan3A_205 = arith.constant 0 : i32
      %scan3A_206 = arith.constant 256 : i32
      %scan3A_207 = arith.addi %scan3A_205, %scan3A_206 : i32
      %scan3A_208 = arith.constant 1 : i32
      scf.for %scan3A_210 = %scan3A_205 to %scan3A_207 step %scan3A_208  : i32 {
        %mul3A_211 = arith.constant 16 : i32
        %mul3A_212 = arith.muli %scan3A_210, %mul3A_211 : i32
        %get3A_213 = arith.index_cast %mul3A_212 : i32 to index
        %get3A_214 = tpu.vector_load %arg8[%get3A_213] {strides = array<i32>} : memref<4096xf32, #tpu.memory_space<vmem>>, vector<16xf32>,
        %get3A_215 = arith.constant 7 : i32
        %get3A_216 = arith.index_cast %get3A_215 : i32 to index
        %get3A_217 = arith.index_cast %mul3A_212 : i32 to index
        %get3A_218 = tpu.vector_load %arg7[%get3A_216, %get3A_217] {strides = array<i32>} : memref<8x4096xf32, #tpu.memory_space<vmem>>, vector<16xf32>,
        %mul3A_219 = arith.mulf %broadcast_in_dim3A_203, %get3A_218 : vector<16xf32>
        %sub3A_220 = arith.subf %get3A_214, %mul3A_219 : vector<16xf32>
        %swap3A = arith.index_cast %mul3A_212 : i32 to index
        %swap3A_221 = tpu.vector_load %arg8[%swap3A] {strides = array<i32>} : memref<4096xf32, #tpu.memory_space<vmem>>, vector<16xf32>,
        tpu.vector_store %arg8[%swap3A], %sub3A_220 {strides = array<i32>} : memref<4096xf32, #tpu.memory_space<vmem>>, vector<16xf32>,
      }
      %scan3A_209 = arith.constant 256 : i32
    } else {
    }
    "tpu.region"() ({
      %run_scoped3A = tpu.sem_alloc : memref<!tpu.dma_semaphore, #tpu.memory_space<semaphore_mem>>
      %dma_start3A = arith.constant 0 : i32
      %dma_start3A_202 = tpu.memref_slice %arg4[%add3A, %dma_start3A] : memref<32x4096xf32, #tpu.memory_space<hbm>> -> memref<1x4096xf32, #tpu.memory_space<hbm>>
      %dma_start3A_203 = tpu.memref_squeeze %dma_start3A_202 : memref<1x4096xf32, #tpu.memory_space<hbm>> -> memref<4096xf32, #tpu.memory_space<hbm>>
      %dma_start3A_204 = arith.constant 0 : i32
      %dma_start3A_205 = tpu.memref_slice %arg4[%add3A, %dma_start3A_204] : memref<32x4096xf32, #tpu.memory_space<hbm>> -> memref<1x4096xf32, #tpu.memory_space<hbm>>
      %dma_start3A_206 = tpu.memref_squeeze %dma_start3A_205 : memref<1x4096xf32, #tpu.memory_space<hbm>> -> memref<4096xf32, #tpu.memory_space<hbm>>
      tpu.enqueue_dma source(%arg8 : memref<4096xf32, #tpu.memory_space<vmem>>) target(%dma_start3A_206 : memref<4096xf32, #tpu.memory_space<hbm>>) target_semaphore(%run_scoped3A : memref<!tpu.dma_semaphore, #tpu.memory_space<semaphore_mem>>)
      %dma_wait3A = arith.constant 0 : i32
      %dma_wait3A_207 = tpu.memref_slice %arg4[%add3A, %dma_wait3A] : memref<32x4096xf32, #tpu.memory_space<hbm>> -> memref<1x4096xf32, #tpu.memory_space<hbm>>
      %dma_wait3A_208 = tpu.memref_squeeze %dma_wait3A_207 : memref<1x4096xf32, #tpu.memory_space<hbm>> -> memref<4096xf32, #tpu.memory_space<hbm>>
      %dma_wait3A_209 = arith.constant 0 : i32
      %dma_wait3A_210 = tpu.memref_slice %arg4[%add3A, %dma_wait3A_209] : memref<32x4096xf32, #tpu.memory_space<hbm>> -> memref<1x4096xf32, #tpu.memory_space<hbm>>
      %dma_wait3A_211 = tpu.memref_squeeze %dma_wait3A_210 : memref<1x4096xf32, #tpu.memory_space<hbm>> -> memref<4096xf32, #tpu.memory_space<hbm>>
      tpu.wait_dma2 semaphore(%run_scoped3A : memref<!tpu.dma_semaphore, #tpu.memory_space<semaphore_mem>>) src(%arg8 : memref<4096xf32, #tpu.memory_space<vmem>>) dst(%dma_wait3A_211 : memref<4096xf32, #tpu.memory_space<hbm>>)
      tpu.yield
    }) : () -> ()
    return
  }
}

module attributes {stable_mosaic.version = 14 : i64} {
  func.func @_tc_body(%arg0: memref<32x64x64xf32, #tpu.memory_space<vmem>>, %arg1: memref<64x64xf32, #tpu.memory_space<vmem>>, %arg2: memref<64x64xf32, #tpu.memory_space<vmem>>, %arg3: memref<64x64xf32, #tpu.memory_space<vmem>>, %arg4: memref<64x64xf32, #tpu.memory_space<vmem>>, %arg5: memref<64x64xf32, #tpu.memory_space<vmem>>, %arg6: memref<64x64xf32, #tpu.memory_space<vmem>>, %arg7: memref<64x64xf32, #tpu.memory_space<vmem>>, %arg8: memref<64x64xf32, #tpu.memory_space<vmem>>, %arg9: memref<64x64xf32, #tpu.memory_space<vmem>>, %arg10: memref<64x64xf32, #tpu.memory_space<vmem>>) attributes {dimension_semantics = [], scalar_prefetch = 0 : i64, scratch_operands = 0 : i64, tpu.core_type = #tpu.core_type<tc>} {
    %get3A = arith.constant 0 : index
    %get3A_0 = arith.constant 0 : index
    %get3A_1 = arith.constant 0 : index
    %get3A_2 = vector.load %arg0[%get3A, %get3A_0, %get3A_1] : memref<32x64x64xf32, #tpu.memory_space<vmem>>, vector<32x64x64xf32>
    %reduce_sum3A = arith.constant dense<0.000000e+00> : vector<64x64xf32>
    %reduce_sum3A_3 = vector.multi_reduction <add>, %get3A_2, %reduce_sum3A [0] : vector<32x64x64xf32> to vector<64x64xf32>
    %get3A_4 = arith.constant 0 : index
    %get3A_5 = arith.constant 0 : index
    %get3A_6 = vector.load %arg3[%get3A_4, %get3A_5] : memref<64x64xf32, #tpu.memory_space<vmem>>, vector<64x64xf32>
    %mul3A = arith.constant 8.000000e-01 : f32
    %mul3A_7 = vector.broadcast %mul3A : f32 to vector<64x64xf32>
    %mul3A_8 = arith.mulf %mul3A_7, %get3A_6 : vector<64x64xf32>
    %add3A = arith.constant 2.000000e-01 : f32
    %add3A_9 = vector.broadcast %add3A : f32 to vector<64x64xf32>
    %add3A_10 = arith.addf %add3A_9, %mul3A_8 : vector<64x64xf32>
    %get3A_11 = arith.constant 0 : index
    %get3A_12 = arith.constant 0 : index
    %get3A_13 = vector.load %arg1[%get3A_11, %get3A_12] : memref<64x64xf32, #tpu.memory_space<vmem>>, vector<64x64xf32>
    %add3A_14 = arith.addf %get3A_13, %reduce_sum3A_3 : vector<64x64xf32>
    %get3A_15 = arith.constant 0 : index
    %get3A_16 = arith.constant 0 : index
    %get3A_17 = vector.load %arg2[%get3A_15, %get3A_16] : memref<64x64xf32, #tpu.memory_space<vmem>>, vector<64x64xf32>
    %mul3A_18 = arith.constant 0.899999976 : f32
    %mul3A_19 = vector.broadcast %mul3A_18 : f32 to vector<64x64xf32>
    %mul3A_20 = arith.mulf %mul3A_19, %get3A_17 : vector<64x64xf32>
    %mul3A_21 = arith.mulf %add3A_14, %add3A_10 : vector<64x64xf32>
    %add3A_22 = arith.addf %mul3A_20, %mul3A_21 : vector<64x64xf32>
    %add3A_23 = arith.constant 5.000000e-02 : f32
    %add3A_24 = vector.broadcast %add3A_23 : f32 to vector<64x64xf32>
    %add3A_25 = arith.addf %add3A_22, %add3A_24 : vector<64x64xf32>
    %get3A_26 = arith.constant 0 : index
    %get3A_27 = arith.constant 0 : index
    %get3A_28 = vector.load %arg4[%get3A_26, %get3A_27] : memref<64x64xf32, #tpu.memory_space<vmem>>, vector<64x64xf32>
    %gt3A = arith.cmpf ogt, %add3A_25, %get3A_28 : vector<64x64xf32>
    %convert_element_type3A = arith.extui %gt3A : vector<64x64xi1> to vector<64x64xi32>
    %convert_element_type3A_29 = arith.sitofp %convert_element_type3A : vector<64x64xi32> to vector<64x64xf32>
    %get3A_30 = arith.constant 0 : index
    %get3A_31 = arith.constant 0 : index
    %get3A_32 = vector.load %arg5[%get3A_30, %get3A_31] : memref<64x64xf32, #tpu.memory_space<vmem>>, vector<64x64xf32>
    %mul3A_33 = arith.constant 0.949999988 : f32
    %mul3A_34 = vector.broadcast %mul3A_33 : f32 to vector<64x64xf32>
    %mul3A_35 = arith.mulf %mul3A_34, %get3A_32 : vector<64x64xf32>
    %mul3A_36 = arith.constant 5.000000e-02 : f32
    %mul3A_37 = vector.broadcast %mul3A_36 : f32 to vector<64x64xf32>
    %mul3A_38 = arith.mulf %mul3A_37, %convert_element_type3A_29 : vector<64x64xf32>
    %add3A_39 = arith.addf %mul3A_35, %mul3A_38 : vector<64x64xf32>
    %gt3A_40 = arith.constant 1.000000e-01 : f32
    %gt3A_41 = vector.broadcast %gt3A_40 : f32 to vector<64x64xf32>
    %gt3A_42 = arith.cmpf ogt, %add3A_39, %gt3A_41 : vector<64x64xf32>
    %add3A_43 = arith.constant 5.000000e-02 : f32
    %add3A_44 = vector.broadcast %add3A_43 : f32 to vector<64x64xf32>
    %add3A_45 = arith.addf %get3A_28, %add3A_44 : vector<64x64xf32>
    %select_n3A = arith.select %gt3A_42, %add3A_45, %get3A_28 : vector<64x64xi1>, vector<64x64xf32>
    %lt3A = arith.constant 1.000000e-01 : f32
    %lt3A_46 = vector.broadcast %lt3A : f32 to vector<64x64xf32>
    %lt3A_47 = arith.cmpf olt, %add3A_39, %lt3A_46 : vector<64x64xf32>
    %div3A = arith.constant 1.050000e+00 : f32
    %div3A_48 = vector.broadcast %div3A : f32 to vector<64x64xf32>
    %div3A_49 = arith.divf %select_n3A, %div3A_48 : vector<64x64xf32>
    %select_n3A_50 = arith.select %lt3A_47, %div3A_49, %select_n3A : vector<64x64xi1>, vector<64x64xf32>
    %swap3A = arith.constant 0 : index
    %swap3A_51 = arith.constant 0 : index
    %swap3A_52 = vector.load %arg6[%swap3A, %swap3A_51] : memref<64x64xf32, #tpu.memory_space<vmem>>, vector<64x64xf32>
    tpu.vector_store %arg6[%swap3A, %swap3A_51], %convert_element_type3A_29 {strides = array<i32>} : memref<64x64xf32, #tpu.memory_space<vmem>>, vector<64x64xf32>,
    %jit3A = arith.constant 0.000000e+00 : f32
    %broadcast_in_dim3A = vector.broadcast %jit3A : f32 to vector<64x64xf32>
    %select_n3A_53 = arith.select %gt3A, %broadcast_in_dim3A, %add3A_25 : vector<64x64xi1>, vector<64x64xf32>
    %swap3A_54 = arith.constant 0 : index
    %swap3A_55 = arith.constant 0 : index
    %swap3A_56 = vector.load %arg7[%swap3A_54, %swap3A_55] : memref<64x64xf32, #tpu.memory_space<vmem>>, vector<64x64xf32>
    tpu.vector_store %arg7[%swap3A_54, %swap3A_55], %select_n3A_53 {strides = array<i32>} : memref<64x64xf32, #tpu.memory_space<vmem>>, vector<64x64xf32>,
    %swap3A_57 = arith.constant 0 : index
    %swap3A_58 = arith.constant 0 : index
    %swap3A_59 = vector.load %arg8[%swap3A_57, %swap3A_58] : memref<64x64xf32, #tpu.memory_space<vmem>>, vector<64x64xf32>
    tpu.vector_store %arg8[%swap3A_57, %swap3A_58], %select_n3A_50 {strides = array<i32>} : memref<64x64xf32, #tpu.memory_space<vmem>>, vector<64x64xf32>,
    %jit3A_60 = arith.constant -3.000000e-01 : f32
    %broadcast_in_dim3A_61 = vector.broadcast %jit3A_60 : f32 to vector<64x64xf32>
    %select_n3A_62 = arith.select %gt3A, %broadcast_in_dim3A_61, %add3A_10 : vector<64x64xi1>, vector<64x64xf32>
    %swap3A_63 = arith.constant 0 : index
    %swap3A_64 = arith.constant 0 : index
    %swap3A_65 = vector.load %arg9[%swap3A_63, %swap3A_64] : memref<64x64xf32, #tpu.memory_space<vmem>>, vector<64x64xf32>
    tpu.vector_store %arg9[%swap3A_63, %swap3A_64], %select_n3A_62 {strides = array<i32>} : memref<64x64xf32, #tpu.memory_space<vmem>>, vector<64x64xf32>,
    %swap3A_66 = arith.constant 0 : index
    %swap3A_67 = arith.constant 0 : index
    %swap3A_68 = vector.load %arg10[%swap3A_66, %swap3A_67] : memref<64x64xf32, #tpu.memory_space<vmem>>, vector<64x64xf32>
    tpu.vector_store %arg10[%swap3A_66, %swap3A_67], %add3A_39 {strides = array<i32>} : memref<64x64xf32, #tpu.memory_space<vmem>>, vector<64x64xf32>,
    return
  }
}

</mosaic_0001>

<sc_bundles>
// kernel: kernel.4.cloned.1.call-start
scs
__scs_entry_jumppad:
0x0: {  	(pc) =	sbr.rel $0x88, $3  }
0x1: {  	(tag) =	ssettag $0x0;
	lr =	simm.s32 $0x1  }
0x2: {  	[smem:$0x3F9A] =	sst lr;
	_ =	strace $0xD0000000  }
0x3: {  	_ = 	snop  }
0x4: {  	_ = 	snop  }
0x5: {  	_ = 	snop  }
0x6: {  	_ = 	snop  }
0x7: {  	_ = 	snop  }
__scs_overlays_trampoline_lowered:
0x8: {  	[smem:$0x3FA9] =	sst s0  }
0x9: {  	[smem:$0x3FAA] =	sst s1  }
0xa: {  	[smem:$0x3FAB] =	sst s2  }
0xb: {  	[smem:$0x3FAC] =	sst s3  }
0xc: {  	[smem:$0x3FAD] =	sst s4  }
0xd: {  	[smem:$0x3FAE] =	sst s5  }
0xe: {  	[smem:$0x3FAF] =	sst s6  }
0xf: {  	[smem:$0x3FB0] =	sst s7  }
0x10: {  	[smem:$0x3FB1] =	sst s8  }
0x11: {  	[smem:$0x3FB2] =	sst s9;
	s0 =	simm.s32 @!p0 $0x0  }
0x12: {  	s1 =	sld [smem:$0x3F98];
	s0 =	simm.s32 @p0 $0x1  }
0x13: {  	[smem:$0x3FB3] =	sst s0;
	s0 =	simm.s32 @!p1 $0x0  }
0x14: {  	s2 =	sld [smem:$0x3F97];
	s0 =	simm.s32 @p1 $0x1  }
0x15: {  	[smem:$0x3FB4] =	sst s0;
	s0 =	simm.s32 @!p2 $0x0  }
0x16: {  	s3 =	sld [smem:$0x3FDB];
	s0 =	simm.s32 @p2 $0x1  }
0x17: {  	s4 =	simm.s32 $0x1BF5;
	[smem:$0x3FB6] =	sst s0  }
0x18: {  	s0 =	sld [smem:$0x3F99];
	_ =	swait.ge [sflag:s4], $0x0  }
0x19: {  	s7 =	sld [smem:$0x3F9A]  }
0x1a: {  	s8 =	sadd.s32 $0xFFFFE003, lr  }
0x1b: {  	s9 =	sadd.s32 $0xFFFFFEF7, lr;
	s5 =	simm.s32 $0xFFFFFFFF;
	p2 =	slt.u32 s8, $0xFFFFF086  }
0x1c: {  	p1 =	slt.u32 s9, $0xF7A;
	s5 =	simm.s32 @!p2 $0x0  }
0x1d: {  	s5 =	simm.s32 @p1 $0x1;
	p0 =	seq.s32 s7, s2  }
0x1e: {  	s7 =	smul.u32 @!p0 $0xF7A, s2;
	p2 =	seq.s32 @!p0 s5, $0x0  }
0x1f: {  	s9 =	smul.u32 $0xF7A, s1;
	s8 =	simm.s32 @!p0 $0x1BF5;
	p2 =	por !p2, p0  }
0x20: {  	[sflag:s8] =	ssyncset.s32 @!p0 $0xFFFFF086;
	s6 =	sadd.s32 @!p0 s3, s7;
	s7 =	simm.s32 @!p0 $0x108  }
0x21: {  	s3 =	sadd.s32 s3, s9;
	s6 =	sadd.s32 @!p0 $0x88, s6;
	s7 =	simm.s32 @p2 $0x1082  }
0x22: {  	[simem:s7], [sflag:s8] =	dma.local @!p0 [hbm:s6], $0xF7A  }
0x23: {  	s9 =	sor.u32 $0xD0000000, s2;
	s6 =	simm.s32 $0x108;
	_ =	swait.ge @!p0 [sflag:s8], $0x0  }
0x24: {  	s3 =	sadd.s32 $0x88, s3;
	s6 =	simm.s32 @!p1 $0x1082;
	[sflag:s4] =	ssyncset.s32 $0xFFFFF086  }
0x25: {  	[simem:s6], [sflag:s4] =	dma.local [hbm:s3], $0xF7A  }
0x26: {  	[smem:$0x3F9A] =	sst s1;
	(tag) =	ssettag s2;
	_ =	strace s9  }
0x27: {  	s1 =	sld [smem:$0x3FAA]  }
0x28: {  	s2 =	sld [smem:$0x3FAB]  }
0x29: {  	s4 =	sld [smem:$0x3FAD]  }
0x2a: {  	p0 =	seq.s32 s5, $0x0;
	s5 =	sld [smem:$0x3FAE]  }
0x2b: {  	s6 =	sld [smem:$0x3FAF]  }
0x2c: {  	s7 =	sld [smem:$0x3FB0]  }
0x2d: {  	s3 =	simm.s32 $0x108;
	s8 =	sld [smem:$0x3FB1]  }
0x2e: {  	s3 =	simm.s32 @!p0 $0x1082;
	s9 =	sld [smem:$0x3FB2]  }
0x2f: {  	lr =	sadd.s32 s0, s3;
	s0 =	sld [smem:$0x3FA9]  }
0x30: {  	s3 =	sld [smem:$0x3FAC]  }
0x31: {  	[smem:$0x3FB5] =	sst s10  }
0x32: {  	s10 =	sld [smem:$0x3FB3];
	_ =	sdelay $0x3  }
0x33: {  	p0 =	seq.s32 s10, $0x1;
	s10 =	sld [smem:$0x3FB5];
	_ =	sdelay $0x3  }
0x34: {  	[smem:$0x3FB5] =	sst s10  }
0x35: {  	s10 =	sld [smem:$0x3FB4];
	_ =	sdelay $0x3  }
0x36: {  	p1 =	seq.s32 s10, $0x1;
	s10 =	sld [smem:$0x3FB5];
	_ =	sdelay $0x3  }
0x37: {  	[smem:$0x3FB5] =	sst s10  }
0x38: {  	s10 =	sld [smem:$0x3FB6]  }
0x39: {  	_ = 	snop;
	(pc) =	sbr.ind lr, $3  }
0x3a: {  	_ = 	snop  }
0x3b: {  	_ = 	snop  }
0x3c: {  	p2 =	seq.s32 s10, $0x1;
	s10 =	sld [smem:$0x3FB5]  }
0x3d: {  	_ =	shalt  }
0x3e: {  	_ =	shalt  }
0x3f: {  	_ =	shalt  }
0x40: {  	_ =	shalt  }
0x41: {  	_ =	shalt  }
0x42: {  	_ =	shalt  }
0x43: {  	_ =	shalt  }
0x44: {  	_ =	shalt  }
0x45: {  	_ =	shalt  }
0x46: {  	_ =	shalt  }
0x47: {  	_ =	shalt  }
0x48: {  	_ =	shalt  }
0x49: {  	_ =	shalt  }
0x4a: {  	_ =	shalt  }
0x4b: {  	_ =	shalt  }
0x4c: {  	_ =	shalt  }
0x4d: {  	_ =	shalt  }
0x4e: {  	_ =	shalt  }
0x4f: {  	_ =	shalt  }
0x50: {  	_ =	shalt  }
0x51: {  	_ =	shalt  }
0x52: {  	_ =	shalt  }
0x53: {  	_ =	shalt  }
0x54: {  	_ =	shalt  }
0x55: {  	_ =	shalt  }
0x56: {  	_ =	shalt  }
0x57: {  	_ =	shalt  }
0x58: {  	_ =	shalt  }
0x59: {  	_ =	shalt  }
0x5a: {  	_ =	shalt  }
0x5b: {  	_ =	shalt  }
0x5c: {  	_ =	shalt  }
0x5d: {  	_ =	shalt  }
0x5e: {  	_ =	shalt  }
0x5f: {  	_ =	shalt  }
0x60: {  	_ =	shalt  }
0x61: {  	_ =	shalt  }
0x62: {  	_ =	shalt  }
0x63: {  	_ =	shalt  }
0x64: {  	_ =	shalt  }
0x65: {  	_ =	shalt  }
0x66: {  	_ =	shalt  }
0x67: {  	_ =	shalt  }
0x68: {  	_ =	shalt  }
0x69: {  	_ =	shalt  }
0x6a: {  	_ =	shalt  }
0x6b: {  	_ =	shalt  }
0x6c: {  	_ =	shalt  }
0x6d: {  	_ =	shalt  }
0x6e: {  	_ =	shalt  }
0x6f: {  	_ =	shalt  }
0x70: {  	_ =	shalt  }
0x71: {  	_ =	shalt  }
0x72: {  	_ =	shalt  }
0x73: {  	_ =	shalt  }
0x74: {  	_ =	shalt  }
0x75: {  	_ =	shalt  }
0x76: {  	_ =	shalt  }
0x77: {  	_ =	shalt  }
0x78: {  	_ =	shalt  }
0x79: {  	_ =	shalt  }
0x7a: {  	_ =	shalt  }
0x7b: {  	_ =	shalt  }
0x7c: {  	_ =	shalt  }
0x7d: {  	_ =	shalt  }
0x7e: {  	_ =	shalt  }
0x7f: {  	_ =	shalt  }
0x80: {  	_ =	shalt  }
0x81: {  	_ =	shalt  }
0x82: {  	_ =	shalt  }
0x83: {  	_ =	shalt  }
0x84: {  	_ =	shalt  }
0x85: {  	_ =	shalt  }
0x86: {  	_ =	shalt  }
0x87: {  	_ =	shalt  }
.Lfunc_end0:
.L_simem_size_0:
called_computation_lowered:
.L_overlay_start_0:
0x88: {  	s2 =	sld [smem:$0x3FD9]  }
0x89: {  	s3 =	sld [smem:$0x3FFE];
	_ =	sdelay $0x1  }
0x8a: {  	s1 =	srdreg.scid  }
0x8b: {  	s0 =	sand.u32 $0x1, s1  }
0x8c: {  	s14 =	sshll.u32 s0, $0xA;
	s2 =	sadd.s32 s3, s2  }
0x8d: {  	s2 =	sadd.s32 s2, s14  }
0x8e: {  	[smem:$0x3FC1] =	sst s2  }
0x8f: {  	_ = 	snop  }
0x90: {  	s2 =	sld [smem:$0x3FD0];
	_ =	sdelay $0x2  }
0x91: {  	s4 =	simm.s32 $0xA;
	s5 =	simm.s32 $0x10;
	s15 =	sld [smem:$0x3FC3]  }
0x92: {  	[smem:s5], [sflag:s4] =	dma.local [hbm:s2], $0x1  }
0x93: {  	_ =	swait.eq [sflag:s4], $0x1  }
0x94: {  	[sflag:s4] =	ssyncset.done $0x0  }
0x95: {  	[sflag:s4] =	ssyncadd.s32 $0xFFFFFFFF  }
0x96: {  	s16 =	sld [smem:$0x14];
	(tm) =	ssettm $0x1  }
0x97: {  	s17 =	sld [smem:$0x3FFB];
	_ =	sdelay $0x3  }
0x98: {  	_ =	strace s17  }
0x99: {  	s4 =	sld [smem:$0x3FFC];
	_ =	sdelay $0x3  }
0x9a: {  	_ =	strace s4  }
0x9b: {  	s4 =	sld [smem:$0x3FFD];
	_ =	sdelay $0x3  }
0x9c: {  	_ =	strace s4  }
0x9d: {  	_ =	strace $0x8FFFFFFF  }
0x9e: {  	s18 =	sld [smem:$0x3FDB];
	_ =	sdelay $0x1  }
0x9f: {  	s19 =	simm.s32 $_scs_section_size  }
0xa0: {  	s6 =	simm.s32 $_size__tile_overlayer_lowered;
	s7 =	simm.s32 $_tile_overlayer_lowered  }
0xa1: {  	s22 =	simm.s32 $0x1BFF;
	s21 =	sshll.u32 s7, $0x1;
	s4 =	sadd.s32 s19, s18  }
0xa2: {  	s8 =	simm.s32 $0x0;
	s20 =	sshll.u32 s6, $0x1;
	s6 =	sadd.s32 s21, s4  }
0xa3: {  	[timem:s8], [sflag:s22] =	dma.local [hbm:s6], s20  }
0xa4: {  	_ =	swait.ge [sflag:s22], s20  }
0xa5: {  	s5 =	ssub.s32 $0x0, s20;
	[sflag:s22] =	ssyncset.done $0x0  }
0xa6: {  	[sflag:s22] =	ssyncadd.s32 s5;
	_ =	sdelay $0x1  }
0xa7: {  	s23 =	simm.s32 $0x1B8B  }
0xa8: {  	_ =	swait.ge [sflag:s23], $0x1  }
0xa9: {  	[sflag:s23] =	ssyncset.done $0x0  }
0xaa: {  	s25 =	simm.s32 $0x1B8E;
	s24 =	sld [smem:$0x3FFE];
	[sflag:s23] =	ssyncadd.s32 $0xFFFFFFFF  }
0xab: {  	s26 =	simm.s32 $execute0_lowered;
	[smem:$0x3FD2] =	sst s25  }
0xac: {  	s6 =	sshll.u32 s26, $0x1;
	_ =	strace $0x80000046;
	[dreg:$0x1] =	wrdreg $0xFFFFFFFF  }
0xad: {  	s28 =	simm.s32 $_size_execute0_lowered;
	s4 =	sadd.s32 s4, s6;
	[dreg:$0x0] =	wrdreg $0x0  }
0xae: {  	s6 =	sshll.u32 s28, $0x1;
	[dreg:$0x2] =	wrdreg s4  }
0xaf: {  	[dreg:$0x3] =	wrdreg s6  }
0xb0: {  	[dreg:$0x4] =	wrdreg $0xC0  }
0xb1: {  	_ =	task [dreg:s8], $0x5FFFF  }
0xb2: {  	[dreg:$0x1] =	wrdreg $0xFFFFFFFF  }
0xb3: {  	[dreg:$0x0] =	wrdreg $0x60  }
0xb4: {  	[dreg:$0x2] =	wrdreg s16  }
0xb5: {  	[dreg:$0x3] =	wrdreg s15  }
0xb6: {  	[dreg:$0x4] =	wrdreg s24  }
0xb7: {  	[dreg:$0x5] =	wrdreg $0x9  }
0xb8: {  	_ =	task.clear_ibuf [dreg:s8], $0x6FFFF;
	_ =	strace $0x90000046  }
0xb9: {  	s29 =	simm.s32 $0x9;
	_ =	strace $0x80000048  }
0xba: {  	_ =	swait.ge [sflag:s29], $0x1  }
0xbb: {  	[sflag:s29] =	ssyncadd.s32 $0xFFFFFFFF  }
0xbc: {  	_ =	strace $0x90000048  }
0xbd: {  	_ =	sfence  }
0xbe: {  	s30 =	sld [smem:$0x0];
	_ =	sdelay $0x2  }
0xbf: {  	s31 =	sshll.u32 s1, $0xD;
	s1 =	sshrl.u32 s1, $0x2  }
0xc0: {  	s3 =	sand.u32 $0x4000, s31;
	s1 =	sadd.s32 s1, s30  }
0xc1: {  	s0 =	sor.u32 s3, s0;
	s1 =	sshll.u32 s1, $0x11  }
0xc2: {  	s0 =	sor.u32 s1, s0  }
0xc3: {  	s0 =	sadd.s32 $0x8F2B, s0  }
0xc4: {  	[sflag:s0] =	ssyncadd.remote.s32 $0x1  }
0xc5: {  	_ =	sfence.sel $0xFFFF  }
0xc6: {  	[dreg:$0x0] =	wrdreg $0xFFFFFFFF;
	(pc) =	sbr.abs _section_cstart, $3  }
0xc7: {  	[dreg:$0x1] =	wrdreg $0xFFFFFFFF  }
0xc8: {  	_ =	task.clear_ibuf [dreg:s8], $0x2FFFF;
	_ =	strace $0x9FFFFFFF  }
0xc9: {  	(tm) =	ssettm $0x7FFFFFFF  }
tec
execute0_lowered:
.L_overlay_start_1:
0x0: {  	(tag) =	ssettag $0x1  }
0x1: {  	s1 =	rddreg [dreg:$0x0]  }
0x2: {  	s0 =	srdreg.scid;
	s21 =	rddreg [dreg:$0x1]  }
0x3: {  	s5 =	stileid.u32;
	s3 =	rddreg [dreg:$0x2];
	s6 =	simm.s32 $0x0  }
0x4: {  	s26 =	simm.s32 $0x80;
	s24 =	simm.s32 $0x1;
	s0 =	sand.u32 $0x1, s0  }
0x5: {  	s2 =	sshll.u32 s5, $0x1;
	s5 =	sshll.u32 s5, $0xD;
	[smem:$0x7FF] =	sst s6  }
0x6: {  	s6 =	sadd.s32 $0x200, s21;
	s7 =	sadd.s32 $0x300, s21;
	s8 =	sadd.s32 $0x400, s21  }
0x7: {  	s9 =	sadd.s32 $0x500, s21;
	s10 =	sadd.s32 $0x600, s21;
	s11 =	sadd.s32 $0x700, s21  }
0x8: {  	s12 =	sadd.s32 $0x800, s21;
	s13 =	sadd.s32 $0x900, s21;
	s14 =	sadd.s32 $0xA00, s21  }
0x9: {  	s15 =	sadd.s32 $0xB00, s21;
	s18 =	sadd.s32 $0xC00, s21;
	s19 =	sadd.s32 $0xD00, s21  }
0xa: {  	s20 =	sadd.s32 $0xE00, s21;
	s2 =	sor.u32 s0, s2;
	s0 =	ssub.s32 $0x2, s0  }
0xb: {  	_ =	strace $0x80000047;
	s4 =	sshll.u32 s2, $0x7;
	s29 =	sshrl.u32 s0, $0x1  }
0xc: {  	s2 =	sshll.u32 s2, $0x4;
	s5 =	sor.u32 s5, s4;
	s0 =	ssub.s32 s0, s29  }
0xd: {  	s1 =	sadd.s32 s1, s2;
	s30 =	sor.u32 $0x10, s4;
	s31 =	sor.u32 $0x20, s4  }
0xe: {  	s16 =	sor.u32 $0x30, s4;
	s17 =	sor.u32 $0x40, s4;
	s22 =	sor.u32 $0x50, s4  }
0xf: {  	v0 =	vlaneseq.u32;
	s23 =	sor.u32 $0x60, s4;
	s25 =	sor.u32 $0x70, s4;
	s2 =	simm.s32 $0x7180  }
0x10: {  	v1 =	vor.u32 s4, v0;
	s4 =	simm.s32 $0x0;
	s5 =	sand.u32 $0x18380, s5;
	[dreg:$0x4] =	wrdreg s1  }
.Ltmp0:
0x11: {  	s0 =	smax.u32 s0, $0x1;
	v4 =	vor.u32 s16, v0;
	s16 =	simm.s32 $0x5180;
	(pc) =	sbr.rel .LBB2_1-.Ltmp0, $4  }
0x12: {  	v9 =	vimm.s32 $0x0;
	v5 =	vor.u32 s17, v0;
	v6 =	vor.u32 s22, v0;
	s17 =	simm.s32 $0x5980;
	s22 =	simm.s32 $0x6180;
	s5 =	sshrl.u32 s5, $0x3  }
0x13: {  	v10 =	vimm.f32 $0.0e+00;
	v7 =	vor.u32 s23, v0;
	v8 =	vor.u32 s25, v0;
	s23 =	simm.s32 $0x6980;
	s25 =	simm.s32 $0x7980;
	s3 =	sadd.s32 s5, s3  }
0x14: {  	vm0 =	vmmov $0xffff;
	v12 =	vshrl.u32 v0, $0x3;
	v11 =	vand.u32 $0x7, v0;
	[dreg:$0x6] =	wrdreg s0;
	s5 =	sadd.s32 $0x100, s21;
	s3 =	sadd.s32 $0x1000, s3  }
0x15: {  	v12 =	vmul.u32 $0x8, v12;
	v2 =	vor.u32 s30, v0;
	v3 =	vor.u32 s31, v0;
	s21 =	sadd.s32 $0xF00, s21;
	[dreg:$0x5] =	wrdreg s3;
	s3 =	simm.s32 $0x2  }
.LBB2_11:
0x16: {  	s0 =	rddreg [dreg:$0x5]  }
0x17: {  	s26 =	simm.s32 $0x80;
	s1 =	simm.s32 $0x400;
	s3 =	simm.s32 $0x8180  }
0x18: {  	[hbm4b:s0+s26] =	stream.strided.scatter [tilespmem:s3], [sflag:$0x2], $0x1000, s1, s26, $0x38;
	[tilespmem:$0x9180] =	vst v63  }
0x19: {  	s3 =	simm.s32 $0x2  }
0x1a: {  	_ =	swait.ge [sflag:s3], $0x1000  }
0x1b: {  	s4 =	sadd.s32 $0x1, s4;
	s31 =	rddreg [dreg:$0x6]  }
0x1c: {  	p0 =	sne.s32 s4, s31  }
.Ltmp1:
0x1d: {  	_ = 	snop;
	(pc) =	sbr.rel @!p0 .LBB2_12-.Ltmp1, $3  }
0x1e: {  	_ =	sdelay $0x1  }
0x1f: {  	[sflag:s3] =	ssyncset.done $0x0  }
0x20: {  	[sflag:s3] =	ssyncadd.s32 $0xFFFFF000  }
.LBB2_1:
0x21: {  	[dreg:$0x7] =	wrdreg s4  }
0x22: {  	s0 =	simm.s32 $0x0;
	s1 =	rddreg [dreg:$0x4]  }
0x23: {  	[tilespmem:s0], [sflag:$0x2] =	stream.linear.gather [hbm4b:s1+s0], $0x80, $0x38;
	[tilespmem:$0x9180] =	vst v63  }
0x24: {  	_ =	swait.ge [sflag:s3], $0x80  }
0x25: {  	[sflag:s3] =	ssyncset.done $0x0  }
0x26: {  	[sflag:s3] =	ssyncadd.s32 $0xFFFFFF80  }
0x27: {  	v13 =	vld [tilespmem:$0x0];
	_ =	sdelay $0x4  }
0x28: {  	vm1 =	vgt.s32 v13, $0x0  }
0x29: {  	v13 =	vsel vm1, $0x1, v9  }
0x2a: {  	(xrf0) =	vadd.scan.msk.s32 $0xffff, v13;
	_ =	sdelay $0x5  }
0x2b: {  	v13, _, _ =	vpop (xrf0)  }
0x2c: {  	v14 =	vadd.s32 $0xFFFFFFFF, v13;
	_ =	sdelay $0x2  }
0x2d: {  	(v2sf) =	vpush v13, $0xF;
	_ =	sdelay $0x1  }
0x2e: {  	[tilespmem:v14+s26+$0x0] =	vst.idx.msk vm1, v1  }
0x2f: {  	v13 =	vld [tilespmem:$0x10];
	_ =	sdelay $0x4  }
0x30: {  	vm1 =	vgt.s32 v13, $0x0  }
0x31: {  	v13 =	vsel vm1, $0x1, v9  }
0x32: {  	(xrf0) =	vadd.scan.msk.s32 $0xffff, v13;
	_ =	sdelay $0x4  }
0x33: {  	s29 =	spop (v2sf)  }
0x34: {  	s30 =	sadd.s32 $0xFFFFFFFF, s29;
	v13, _, _ =	vpop (xrf0)  }
0x35: {  	v14 =	vadd.s32 s30, v13;
	_ =	sdelay $0x1  }
0x36: {  	(v2sf) =	vpush v13, $0xF;
	_ =	sdelay $0x2  }
0x37: {  	[tilespmem:v14+s26+$0x0] =	vst.idx.msk vm1, v2  }
0x38: {  	v13 =	vld [tilespmem:$0x20];
	_ =	sdelay $0x4  }
0x39: {  	vm1 =	vgt.s32 v13, $0x0  }
0x3a: {  	v13 =	vsel vm1, $0x1, v9  }
0x3b: {  	(xrf0) =	vadd.scan.msk.s32 $0xffff, v13;
	_ =	sdelay $0x3  }
0x3c: {  	s31 =	spop (v2sf)  }
0x3d: {  	s0 =	sadd.s32 s29, s31  }
0x3e: {  	s1 =	sadd.s32 $0xFFFFFFFF, s0;
	v13, _, _ =	vpop (xrf0)  }
0x3f: {  	v14 =	vadd.s32 s1, v13;
	_ =	sdelay $0x1  }
0x40: {  	(v2sf) =	vpush v13, $0xF;
	_ =	sdelay $0x2  }
0x41: {  	[tilespmem:v14+s26+$0x0] =	vst.idx.msk vm1, v3  }
0x42: {  	v13 =	vld [tilespmem:$0x30];
	_ =	sdelay $0x4  }
0x43: {  	vm1 =	vgt.s32 v13, $0x0  }
0x44: {  	v13 =	vsel vm1, $0x1, v9  }
0x45: {  	(xrf0) =	vadd.scan.msk.s32 $0xffff, v13;
	_ =	sdelay $0x3  }
0x46: {  	s3 =	spop (v2sf)  }
0x47: {  	s0 =	sadd.s32 s0, s3  }
0x48: {  	s1 =	sadd.s32 $0xFFFFFFFF, s0;
	v13, _, _ =	vpop (xrf0)  }
0x49: {  	v14 =	vadd.s32 s1, v13;
	_ =	sdelay $0x1  }
0x4a: {  	(v2sf) =	vpush v13, $0xF;
	_ =	sdelay $0x2  }
0x4b: {  	[tilespmem:v14+s26+$0x0] =	vst.idx.msk vm1, v4  }
0x4c: {  	v13 =	vld [tilespmem:$0x40];
	_ =	sdelay $0x4  }
0x4d: {  	vm1 =	vgt.s32 v13, $0x0  }
0x4e: {  	v13 =	vsel vm1, $0x1, v9  }
0x4f: {  	(xrf0) =	vadd.scan.msk.s32 $0xffff, v13;
	_ =	sdelay $0x3  }
0x50: {  	s4 =	spop (v2sf)  }
0x51: {  	s0 =	sadd.s32 s0, s4  }
0x52: {  	s1 =	sadd.s32 $0xFFFFFFFF, s0;
	v13, _, _ =	vpop (xrf0)  }
0x53: {  	v14 =	vadd.s32 s1, v13;
	_ =	sdelay $0x1  }
0x54: {  	(v2sf) =	vpush v13, $0xF;
	_ =	sdelay $0x2  }
0x55: {  	[tilespmem:v14+s26+$0x0] =	vst.idx.msk vm1, v5  }
0x56: {  	v13 =	vld [tilespmem:$0x50];
	_ =	sdelay $0x4  }
0x57: {  	vm1 =	vgt.s32 v13, $0x0  }
0x58: {  	v13 =	vsel vm1, $0x1, v9  }
0x59: {  	(xrf0) =	vadd.scan.msk.s32 $0xffff, v13;
	_ =	sdelay $0x3  }
0x5a: {  	s28 =	spop (v2sf)  }
0x5b: {  	s0 =	sadd.s32 s0, s28  }
0x5c: {  	s1 =	sadd.s32 $0xFFFFFFFF, s0;
	v13, _, _ =	vpop (xrf0)  }
0x5d: {  	v14 =	vadd.s32 s1, v13;
	_ =	sdelay $0x1  }
0x5e: {  	(v2sf) =	vpush v13, $0xF;
	_ =	sdelay $0x2  }
0x5f: {  	[tilespmem:v14+s26+$0x0] =	vst.idx.msk vm1, v6  }
0x60: {  	v13 =	vld [tilespmem:$0x60];
	_ =	sdelay $0x4  }
0x61: {  	vm1 =	vgt.s32 v13, $0x0  }
0x62: {  	v13 =	vsel vm1, $0x1, v9  }
0x63: {  	(xrf0) =	vadd.scan.msk.s32 $0xffff, v13;
	_ =	sdelay $0x3  }
0x64: {  	s29 =	spop (v2sf)  }
0x65: {  	s0 =	sadd.s32 s0, s29  }
0x66: {  	s1 =	sadd.s32 $0xFFFFFFFF, s0;
	v13, _, _ =	vpop (xrf0)  }
0x67: {  	v14 =	vadd.s32 s1, v13;
	_ =	sdelay $0x4  }
0x68: {  	[tilespmem:v14+s26+$0x0] =	vst.idx.msk vm1, v7  }
0x69: {  	v14 =	vld [tilespmem:$0x70];
	_ =	sdelay $0x4  }
0x6a: {  	vm1 =	vgt.s32 v14, $0x0  }
0x6b: {  	v14 =	vsel vm1, $0x1, v9  }
0x6c: {  	(xrf0) =	vadd.scan.msk.s32 $0xffff, v14;
	_ =	sdelay $0x4  }
0x6d: {  	(v2sf) =	vpush v13, $0xF  }
0x6e: {  	v13, _, _ =	vpop (xrf0)  }
0x6f: {  	(v2sf) =	vpush v13, $0xF;
	_ =	sdelay $0xc  }
0x70: {  	s30 =	spop (v2sf)  }
0x71: {  	s0 =	sadd.s32 s0, s30  }
0x72: {  	s1 =	sadd.s32 $0xFFFFFFFF, s0;
	s31 =	spop (v2sf)  }
0x73: {  	v13 =	vadd.s32 s1, v13;
	s3 =	sadd.s32 s0, s31  }
0x74: {  	v14 =	vadd.s32 s3, v0;
	_ =	sdelay $0x3  }
0x75: {  	[tilespmem:v13+s26+$0x0] =	vst.idx.msk vm1, v8  }
0x76: {  	s1 =	simm.s32 $0x0;
	s0 =	simm.s32 $0x40;
	[tilespmem:v14+s26+$0x0] =	vst.idx.msk $0xffff, v9  }
.LBB2_2:
0x77: {  	p0 =	seq.s32 s0, $0x3FC0;
	[tilespmem:s1+$0x8180] =	vst v10;
	s1 =	smov.u32 s0;
	s0 =	sadd.s32 $0x40, s0  }
.Ltmp2:
0x78: {  	(pc) =	sbr.rel @!p0 .LBB2_2-.Ltmp2, $2  }
0x79: {  	_ =	sdelay $0x2  }
0x7a: {  	s1 =	sshra.s32 s1, $0x2  }
0x7b: {  	s0 =	sadd.s32 $0x7, s3  }
0x7c: {  	[dreg:$0x8] =	wrdreg s3;
	s30 =	sand.u32 $0x7, s0  }
0x7d: {  	s3 =	sshra.s32 s0, $0x1F;
	p0 =	slt.s32 s0, $0x1;
	p1 =	sne.s32 s30, $0x0  }
0x7e: {  	s31 =	sshrl.u32 s3, $0x1D;
	p0 =	por !p0, !p1  }
0x7f: {  	[tilespmem:s1+$0x8180] =	vst v10;
	s1 =	simm.s32 $0x1;
	s0 =	sadd.s32 s31, s0;
	p0 =	por !p0, !p0  }
0x80: {  	s0 =	sshra.s32 s0, $0x3;
	s1 =	simm.s32 @!p0 $0x0  }
0x81: {  	s26 =	ssub.s32 s0, s1  }
0x82: {  	p0 =	sgt.s32 s26, $0x0  }
.Ltmp3:
0x83: {  	_ = 	snop;
	(pc) =	sbr.rel @!p0 .LBB2_7-.Ltmp3, $2  }
0x84: {  	_ =	sdelay $0x2  }
0x85: {  	s28 =	simm.s32 $0x0;
	s29 =	simm.s32 $0x0  }
.LBB2_4:
0x86: {  	s0 =	sshll.u32 s29, $0x5  }
0x87: {  	s0 =	sshra.s32 s0, $0x2  }
0x88: {  	v13 =	vld.msk [tilespmem:s0+$0x80], $0xff;
	_ =	sdelay $0x4  }
0x89: {  	v14 =	vshll.u32 v13, $0x5  }
0x8a: {  	v13 =	vand.u32 $0x7, v13;
	v14 =	vand.u32 $0xFFFFFF00, v14  }
0x8b: {  	v13 =	vor.u32 v13, v14  }
0x8c: {  	v13 =	vperm.xlane v13, v11;
	_ =	sdelay $0x1  }
0x8d: {  	v13 =	vadd.s32 v12, v13;
	_ =	sdelay $0x3  }
0x8e: {  	s4 =	rddreg [dreg:$0x1];
	s1 =	simm.s32 $0x180  }
0x8f: {  	[tilespmem:s1], [sflag:$0x1] =	stream.indirect_vreg.gather [hbm4b:s4+s28], $0x80, v13, vm0, $0xb8;
	[tilespmem:$0x9180] =	vst v63  }
0x90: {  	s1 =	simm.s32 $0x980  }
0x91: {  	[tilespmem:s1], [sflag:$0x1] =	stream.indirect_vreg.gather [hbm4b:s5+s28], $0x80, v13, vm0, $0xb8;
	[tilespmem:$0x9180] =	vst v63  }
0x92: {  	s3 =	simm.s32 $0x1180  }
0x93: {  	[tilespmem:s3], [sflag:$0x1] =	stream.indirect_vreg.gather [hbm4b:s6+s28], $0x80, v13, vm0, $0xb8;
	[tilespmem:$0x9180] =	vst v63  }
0x94: {  	s4 =	simm.s32 $0x1980  }
0x95: {  	[tilespmem:s4], [sflag:$0x1] =	stream.indirect_vreg.gather [hbm4b:s7+s28], $0x80, v13, vm0, $0xb8;
	[tilespmem:$0x9180] =	vst v63  }
0x96: {  	s1 =	simm.s32 $0x2180  }
0x97: {  	[tilespmem:s1], [sflag:$0x1] =	stream.indirect_vreg.gather [hbm4b:s8+s28], $0x80, v13, vm0, $0xb8;
	[tilespmem:$0x9180] =	vst v63  }
0x98: {  	s3 =	simm.s32 $0x2980  }
0x99: {  	[tilespmem:s3], [sflag:$0x1] =	stream.indirect_vreg.gather [hbm4b:s9+s28], $0x80, v13, vm0, $0xb8;
	[tilespmem:$0x9180] =	vst v63  }
0x9a: {  	s4 =	simm.s32 $0x3180  }
0x9b: {  	[tilespmem:s4], [sflag:$0x1] =	stream.indirect_vreg.gather [hbm4b:s10+s28], $0x80, v13, vm0, $0xb8;
	[tilespmem:$0x9180] =	vst v63  }
0x9c: {  	s1 =	simm.s32 $0x3980  }
0x9d: {  	[tilespmem:s1], [sflag:$0x1] =	stream.indirect_vreg.gather [hbm4b:s11+s28], $0x80, v13, vm0, $0xb8;
	[tilespmem:$0x9180] =	vst v63  }
0x9e: {  	s3 =	simm.s32 $0x4180  }
0x9f: {  	[tilespmem:s3], [sflag:$0x1] =	stream.indirect_vreg.gather [hbm4b:s12+s28], $0x80, v13, vm0, $0xb8;
	[tilespmem:$0x9180] =	vst v63  }
0xa0: {  	s4 =	simm.s32 $0x4980  }
0xa1: {  	[tilespmem:s4], [sflag:$0x1] =	stream.indirect_vreg.gather [hbm4b:s13+s28], $0x80, v13, vm0, $0xb8;
	[tilespmem:$0x9180] =	vst v63  }
0xa2: {  	_ = 	snop  }
0xa3: {  	[tilespmem:s16], [sflag:$0x1] =	stream.indirect_vreg.gather [hbm4b:s14+s28], $0x80, v13, vm0, $0xb8;
	[tilespmem:$0x9180] =	vst v63  }
0xa4: {  	_ = 	snop  }
0xa5: {  	[tilespmem:s17], [sflag:$0x1] =	stream.indirect_vreg.gather [hbm4b:s15+s28], $0x80, v13, vm0, $0xb8;
	[tilespmem:$0x9180] =	vst v63  }
0xa6: {  	_ = 	snop  }
0xa7: {  	[tilespmem:s22], [sflag:$0x1] =	stream.indirect_vreg.gather [hbm4b:s18+s28], $0x80, v13, vm0, $0xb8;
	[tilespmem:$0x9180] =	vst v63  }
0xa8: {  	_ = 	snop  }
0xa9: {  	[tilespmem:s23], [sflag:$0x1] =	stream.indirect_vreg.gather [hbm4b:s19+s28], $0x80, v13, vm0, $0xb8;
	[tilespmem:$0x9180] =	vst v63  }
0xaa: {  	_ = 	snop  }
0xab: {  	[tilespmem:s2], [sflag:$0x1] =	stream.indirect_vreg.gather [hbm4b:s20+s28], $0x80, v13, vm0, $0xb8;
	[tilespmem:$0x9180] =	vst v63  }
0xac: {  	_ = 	snop  }
0xad: {  	[tilespmem:s25], [sflag:$0x1] =	stream.indirect_vreg.gather [hbm4b:s21+s28], $0x80, v13, vm0, $0xb8;
	[tilespmem:$0x9180] =	vst v63  }
0xae: {  	_ =	swait.ge [sflag:s24], $0x8000  }
0xaf: {  	s1 =	sand.u32 $0x70, s28;
	s3 =	sand.u32 $0x7C00, s28;
	[sflag:s24] =	ssyncset.done $0x0  }
0xb0: {  	s0 =	sor.u32 s1, s3;
	[sflag:s24] =	ssyncadd.s32 $0xFFFF8000  }
0xb1: {  	s30 =	simm.s32 $0x8180;
	v13 =	vld [tilespmem:s0+$0x180]  }
0xb2: {  	v14 =	vld [tilespmem:s30+$0x0];
	_ =	sdelay $0x1  }
0xb3: {  	v15 =	vld [tilespmem:s0+$0x200];
	_ =	sdelay $0x1  }
0xb4: {  	v16 =	vld [tilespmem:s0+$0x280]  }
0xb5: {  	v13 =	vadd.f32 v13, v14  }
0xb6: {  	v14 =	vld [tilespmem:s0+$0x300]  }
0xb7: {  	v13 =	vadd.f32 v15, v13  }
0xb8: {  	v15 =	vld [tilespmem:s0+$0x380]  }
0xb9: {  	v13 =	vadd.f32 v16, v13  }
0xba: {  	s4 =	sand.u32 $0x7, s28;
	v63 =	vld [tilespmem:s0+$0x400]  }
0xbb: {  	s1 =	sshll.u32 s4, $0x4;
	v13 =	vadd.f32 v14, v13  }
0xbc: {  	s1 =	sadd.s32 $0x0, s1;
	v14 =	vld [tilespmem:s0+$0x480]  }
0xbd: {  	s1 =	sor.u32 $0x380, s1;
	v13 =	vadd.f32 v15, v13  }
0xbe: {  	v15 =	vld [tilespmem:s1+$0x180]  }
0xbf: {  	v13 =	vadd.f32 v63, v13;
	_ =	sdelay $0x1  }
0xc0: {  	v13 =	vadd.f32 v14, v13;
	_ =	sdelay $0x1  }
0xc1: {  	s31 =	simm.s32 $0x80;
	s3 =	simm.s32 $0x10;
	v13 =	vadd.f32 v15, v13  }
0xc2: {  	s4 =	sand.u32 $0x7C00, s31;
	s0 =	sand.u32 $0x70, s3  }
0xc3: {  	s3 =	sor.u32 s0, s4;
	s0 =	simm.s32 $0x20;
	s1 =	simm.s32 $0x0;
	[tilespmem:s30+$0x0] =	vst v13  }
.LBB2_5:
0xc4: {  	p0 =	sne.s32 s0, $0xFF0;
	v13 =	vld [tilespmem:s3+$0x180];
	s30 =	sadd.s32 $0x10, s30  }
0xc5: {  	v14 =	vld [tilespmem:s30+$0x0];
	_ =	sdelay $0x1  }
0xc6: {  	v15 =	vld [tilespmem:s3+$0x200];
	_ =	sdelay $0x1  }
0xc7: {  	v16 =	vld [tilespmem:s3+$0x280]  }
0xc8: {  	v13 =	vadd.f32 v13, v14  }
0xc9: {  	v14 =	vld [tilespmem:s3+$0x300]  }
0xca: {  	v13 =	vadd.f32 v15, v13  }
0xcb: {  	v15 =	vld [tilespmem:s3+$0x380]  }
0xcc: {  	s1 =	sadd.s32 $0x1, s1;
	v13 =	vadd.f32 v16, v13  }
0xcd: {  	s4 =	sand.u32 $0x7, s1;
	v16 =	vld [tilespmem:s3+$0x400]  }
0xce: {  	s4 =	sshll.u32 s4, $0x4;
	v13 =	vadd.f32 v14, v13  }
0xcf: {  	s4 =	sadd.s32 s4, s31;
	v14 =	vld [tilespmem:s3+$0x480]  }
0xd0: {  	s3 =	sor.u32 $0x380, s4;
	v13 =	vadd.f32 v15, v13  }
0xd1: {  	v15 =	vld [tilespmem:s3+$0x180]  }
0xd2: {  	v13 =	vadd.f32 v16, v13;
	_ =	sdelay $0x1  }
.Ltmp4:
0xd3: {  	v13 =	vadd.f32 v14, v13;
	(pc) =	sbr.rel @p0 .LBB2_5-.Ltmp4, $4  }
0xd4: {  	_ = 	snop  }
0xd5: {  	s31 =	sadd.s32 $0x80, s31;
	v13 =	vadd.f32 v15, v13  }
0xd6: {  	s4 =	sand.u32 $0x7C00, s31;
	s3 =	sand.u32 $0x70, s0  }
0xd7: {  	s0 =	sadd.s32 $0x10, s0;
	s3 =	sor.u32 s3, s4;
	[tilespmem:s30+$0x0] =	vst v13  }
0xd8: {  	v13 =	vld [tilespmem:s3+$0x180];
	s0 =	sadd.s32 $0x10, s30  }
0xd9: {  	v14 =	vld [tilespmem:s0+$0x0];
	_ =	sdelay $0x1  }
0xda: {  	v15 =	vld [tilespmem:s3+$0x200];
	_ =	sdelay $0x1  }
0xdb: {  	v16 =	vld [tilespmem:s3+$0x280]  }
0xdc: {  	v13 =	vadd.f32 v13, v14  }
0xdd: {  	v14 =	vld [tilespmem:s3+$0x300]  }
0xde: {  	v13 =	vadd.f32 v15, v13  }
0xdf: {  	v15 =	vld [tilespmem:s3+$0x380]  }
0xe0: {  	s1 =	sadd.s32 $0x1, s1;
	v13 =	vadd.f32 v16, v13  }
0xe1: {  	v63 =	vld [tilespmem:s3+$0x400];
	s1 =	sand.u32 $0x7, s1  }
0xe2: {  	s1 =	sshll.u32 s1, $0x4;
	v13 =	vadd.f32 v14, v13  }
0xe3: {  	s1 =	sadd.s32 s1, s31;
	v14 =	vld [tilespmem:s3+$0x480]  }
0xe4: {  	s1 =	sor.u32 $0x380, s1;
	v13 =	vadd.f32 v15, v13  }
0xe5: {  	v15 =	vld [tilespmem:s1+$0x180]  }
0xe6: {  	s29 =	sadd.s32 $0x1, s29;
	v13 =	vadd.f32 v63, v13  }
0xe7: {  	p0 =	sne.s32 s29, s26  }
.Ltmp5:
0xe8: {  	v13 =	vadd.f32 v14, v13;
	(pc) =	sbr.rel @p0 .LBB2_4-.Ltmp5, $3  }
0xe9: {  	_ = 	snop  }
0xea: {  	v13 =	vadd.f32 v15, v13;
	_ =	sdelay $0x1  }
0xeb: {  	[tilespmem:s0+$0x0] =	vst v13  }
.LBB2_7:
0xec: {  	s0 =	sshll.u32 s26, $0x3;
	s1 =	rddreg [dreg:$0x8]  }
0xed: {  	s1 =	ssub.s32 s0, s1  }
0xee: {  	p0 =	slt.s32 s1, $0x1  }
.Ltmp6:
0xef: {  	_ = 	snop;
	(pc) =	sbr.rel @p0 .LBB2_11-.Ltmp6, $2  }
0xf0: {  	_ =	sdelay $0x2  }
0xf1: {  	s4 =	rddreg [dreg:$0x7]  }
0xf2: {  	s0 =	simm.s32 $0x0  }
0xf3: {  	s3 =	sand.u32 $0x7, s0  }
0xf4: {  	s3 =	sshll.u32 s3, $0x4  }
0xf5: {  	s3 =	sadd.s32 $0x0, s3  }
0xf6: {  	s1 =	scvt.s32.f32 s1;
	s3 =	sor.u32 $0x380, s3  }
0xf7: {  	v15 =	vld [tilespmem:s3+$0x180]  }
0xf8: {  	v13 =	vmov s1;
	s1 =	simm.s32 $0x8180  }
0xf9: {  	v14 =	vld [tilespmem:s1+$0x0];
	_ =	sdelay $0x2  }
0xfa: {  	s3 =	simm.s32 $0x1;
	v15 =	vmul.f32 v15, v13  }
0xfb: {  	s26 =	simm.s32 $0x20;
	s28 =	sand.u32 $0x7, s3  }
.LBB2_9:
0xfc: {  	p0 =	sne.s32 s26, $0xFF0;
	s4 =	sshll.u32 s28, $0x4;
	v14 =	vsub.f32 v14, v15;
	s0 =	sadd.s32 $0x80, s0  }
0xfd: {  	s4 =	sadd.s32 s4, s0  }
0xfe: {  	s4 =	sor.u32 $0x380, s4;
	[tilespmem:s1+$0x0] =	vst v14  }
0xff: {  	v15 =	vld [tilespmem:s4+$0x180]  }
0x100: {  	s1 =	sadd.s32 $0x10, s1  }
.Ltmp7:
0x101: {  	v14 =	vld [tilespmem:s1+$0x0];
	(pc) =	sbr.rel @p0 .LBB2_9-.Ltmp7, $3  }
0x102: {  	_ =	sdelay $0x1  }
0x103: {  	s3 =	sadd.s32 $0x1, s3;
	v15 =	vmul.f32 v15, v13  }
0x104: {  	s26 =	sadd.s32 $0x10, s26;
	s28 =	sand.u32 $0x7, s3  }
0x105: {  	s3 =	sshll.u32 s28, $0x4;
	v14 =	vsub.f32 v14, v15;
	s0 =	sadd.s32 $0x80, s0  }
0x106: {  	s0 =	sadd.s32 s3, s0  }
0x107: {  	s0 =	sor.u32 $0x380, s0;
	[tilespmem:s1+$0x0] =	vst v14  }
0x108: {  	v14 =	vld [tilespmem:s0+$0x180]  }
0x109: {  	s31 =	sadd.s32 $0x10, s1  }
0x10a: {  	v15 =	vld [tilespmem:s31+$0x0];
	_ =	sdelay $0x2  }
.Ltmp8:
0x10b: {  	v13 =	vmul.f32 v14, v13;
	(pc) =	sbr.rel .LBB2_11-.Ltmp8, $3  }
0x10c: {  	_ = 	snop  }
0x10d: {  	v13 =	vsub.f32 v15, v13;
	_ =	sdelay $0x1  }
0x10e: {  	s4 =	rddreg [dreg:$0x7];
	[tilespmem:s31+$0x0] =	vst v13  }
.LBB2_12:
0x10f: {  	_ =	sfence.sel $0x180000  }
0x110: {  	[bflag:$0x0] =	sbarrier.arrive $0xFFFF  }
0x111: {  	_ =	strace $0x90000047  }
0x112: {  	s0 =	stileid.u32;
	[bflag:$0x2] =	sbarrier.arrive $0xFFFF  }
0x113: {  	p0 =	sne.s32 s0, $0x0;
	s0 =	rddreg [dreg:$0x3]  }
0x114: {  	s0 =	sadd.s32 @!p0 $0x100000, s0  }
0x115: {  	[sflag:s0] =	ssyncadd.tile.s32 @!p0 $0x1;
	_ =	shalt  }
.Lfunc_end2:
_tile_overlayer_lowered:
.L_overlay_start_2:
0x116: {  	(tag) =	ssettag $0x2  }
0x117: {  	s0 =	rddreg [dreg:$0x0];
	s2 =	stileid.u32  }
0x118: {  	s1 =	rddreg [dreg:$0x1];
	p0 =	sne.s32 s2, $0x0  }
0x119: {  	s3 =	rddreg [dreg:$0x2];
	[bflag:$0x3] =	sbarrier.arrive $0xFFFF;
	s2 =	simm.s32 @!p0 $0x1C02  }
0x11a: {  	[timem:s3], [sflag:s2] =	dma.local @!p0 [hbm:s0], s1  }
0x11b: {  	s0 =	simm.s32 @!p0 $0x2  }
0x11c: {  	_ =	swait.ge @!p0 [sflag:s0], s1  }
0x11d: {  	s1 =	ssub.s32 @!p0 $0x0, s1;
	[sflag:s0] =	ssyncset.done @!p0 $0x0  }
0x11e: {  	[sflag:s0] =	ssyncadd.s32 @!p0 s1  }
0x11f: {  	[bflag:$0x3] =	sbarrier.arrive $0xFFFF  }
0x120: {  	_ =	shalt  }

</sc_bundles>
